<compile_context>
chip_gen: v7x
topology: tpu7x:2x2x1
jax: 0.10.2.dev20260603
libtpu: 0.0.44.dev20260713+nightly
codegen_flags: <defaults>
</compile_context>

<pallas_src>
import functools

import jax
import jax.numpy as jnp
from jax import lax
from jax.experimental import pallas as pl
from jax.experimental.pallas import tpu as pltpu
from jax.experimental.pallas import tpu_sc as plsc

NC = 2
NS = 16
NW = NC * NS
L = 16

K = 128
SUP = 8
ACC_ROWS = 10112
CNT_N = 10240


@functools.lru_cache(maxsize=None)
def _make_agg_kernel(n, d, e_pad, with_cnt):
  epw = e_pad // NW
  n_chunks = epw // K
  n_super = n_chunks // SUP
  zpw = ACC_ROWS // NS

  mesh = plsc.VectorSubcoreMesh(core_axis_name="c", subcore_axis_name="s",
                                num_cores=NC, num_subcores=NS)
  out_type = [jax.ShapeDtypeStruct((NC, ACC_ROWS, d), jnp.float32)]
  scratch = [
      pltpu.VMEM((SUP, K), jnp.int32),
      pltpu.VMEM((SUP, K), jnp.int32),
      pltpu.VMEM((K, d), jnp.float32),
      pltpu.VMEM((K, d), jnp.float32),
      pltpu.SemaphoreType.DMA,
      pltpu.SemaphoreType.DMA,
      pltpu.SemaphoreType.DMA,
      pltpu.SemaphoreType.DMA,
      pltpu.VMEM_SHARED((ACC_ROWS, d), jnp.float32),
  ]
  if with_cnt:
    out_type.append(jax.ShapeDtypeStruct((NC, NS, CNT_N), jnp.float32))
    scratch.append(pltpu.VMEM((CNT_N,), jnp.float32))

  def body(h_hbm, src_hbm, dst_hbm, zero_hbm, out_agg, *rest):
    if with_cnt:
      (out_cnt, src_v, dst_v, rows0, rows1, gs0, gs1, ss0, ss1,
       acc, cnt_l) = rest
    else:
      (src_v, dst_v, rows0, rows1, gs0, gs1, ss0, ss1, acc) = rest
    rows = (rows0, rows1)
    gsem = (gs0, gs1)
    ssem = (ss0, ss1)
    c = lax.axis_index("c")
    s = lax.axis_index("s")
    wid = s * NC + c

    z_off = pl.multiple_of(s * zpw, 8)
    pltpu.sync_copy(zero_hbm.at[pl.ds(z_off, zpw)], acc.at[pl.ds(z_off, zpw)])
    if with_cnt:
      zv = jnp.zeros((L,), jnp.float32)
      def zero_cnt(i, carry):
        cnt_l[pl.ds(i * L, L)] = zv
        return carry
      lax.fori_loop(0, CNT_N // L, zero_cnt, 0)
    plsc.subcore_barrier()

    base = wid * n_chunks
    ones = jnp.full((L,), 1.0, jnp.float32)

    def super_step(i, carry):
      row0 = pl.multiple_of(base + i * SUP, SUP)
      pltpu.sync_copy(src_hbm.at[pl.ds(row0, SUP)], src_v)
      pltpu.sync_copy(dst_hbm.at[pl.ds(row0, SUP)], dst_v)
      waits = [None, None]
      for k in range(SUP):
        b = k % 2
        if waits[b] is not None:
          waits[b].wait()
        g = pltpu.async_copy(h_hbm.at[src_v.at[k]], rows[b], gsem[b])
        if with_cnt:
          for j in range(K // L):
            dv = dst_v[k, pl.ds(j * L, L)]
            plsc.addupdate_scatter(cnt_l, [dv], ones)
        g.wait()
        waits[b] = pltpu.async_copy(rows[b], acc.at[dst_v.at[k]],
                                    ssem[b], add=True)
      waits[0].wait()
      waits[1].wait()
      return carry
    lax.fori_loop(0, n_super, super_step, 0)
    plsc.subcore_barrier()

    pltpu.sync_copy(acc.at[pl.ds(z_off, zpw)],
                    out_agg.at[c, pl.ds(z_off, zpw)])
    if with_cnt:
      pltpu.sync_copy(cnt_l, out_cnt.at[c, s])

  return pl.kernel(
      body, out_type=out_type, mesh=mesh, scratch_types=scratch,
      compiler_params=pltpu.CompilerParams(needs_layout_passes=False))


def _cnt_reduce_tc(cnt_parts):
  m, w = cnt_parts.shape

  def body(c_ref, o_ref):
    o_ref[...] = jnp.sum(c_ref[...], axis=0, keepdims=True)

  return pl.pallas_call(
      body,
      in_specs=[pl.BlockSpec((m, w), lambda: (0, 0))],
      out_specs=pl.BlockSpec((1, w), lambda: (0, 0)),
      out_shape=jax.ShapeDtypeStruct((1, w), jnp.float32),
  )(cnt_parts)


def _layer_tc(p0, p1, c3d, h, Wl, bl, Wr, relu, resid):
  n, d = h.shape
  R = 400
  grid = (n // R,)

  def body(p0_ref, p1_ref, c_ref, h_ref, wl_ref, bl_ref, wr_ref, *rest):
    if resid is not None:
      x_ref, o_ref = rest
    else:
      (o_ref,) = rest
    p = p0_ref[...] + p1_ref[...]
    cb = c_ref[0]
    ones_row = jnp.ones((1, d), jnp.float32)
    cc = lax.dot_general(cb, ones_row, (((0,), (0,)), ((), ())),
                         preferred_element_type=jnp.float32)
    aggm = p / jnp.maximum(cc, 1.0)
    y = lax.dot_general(aggm, wl_ref[...], (((1,), (1,)), ((), ())),
                        preferred_element_type=jnp.float32)
    y = y + lax.dot_general(h_ref[...], wr_ref[...], (((1,), (1,)), ((), ())),
                            preferred_element_type=jnp.float32)
    y = y + bl_ref[...]
    if relu:
      y = jnp.maximum(y, 0.0)
    if resid is not None:
      y = y + x_ref[...]
    o_ref[...] = y

  in_specs = [
      pl.BlockSpec((R, d), lambda j: (j, 0)),
      pl.BlockSpec((R, d), lambda j: (j, 0)),
      pl.BlockSpec((1, 1, R), lambda j: (j, 0, 0)),
      pl.BlockSpec((R, d), lambda j: (j, 0)),
      pl.BlockSpec((d, d), lambda j: (0, 0)),
      pl.BlockSpec((1, d), lambda j: (0, 0)),
      pl.BlockSpec((d, d), lambda j: (0, 0)),
  ]
  args = [p0, p1, c3d, h, Wl, bl.reshape(1, d), Wr]
  if resid is not None:
    in_specs.append(pl.BlockSpec((R, d), lambda j: (j, 0)))
    args.append(resid)
  return pl.pallas_call(
      body, grid=grid, in_specs=in_specs,
      out_specs=pl.BlockSpec((R, d), lambda j: (j, 0)),
      out_shape=jax.ShapeDtypeStruct((n, d), jnp.float32),
  )(*args)


def kernel(x, edge_index, Wl0, bl0, Wr0, Wl1, bl1, Wr1):
  n, d = x.shape
  e = edge_index.shape[1]
  grain = NW * K * SUP
  e_pad = -(-e // grain) * grain
  pad = e_pad - e
  src = jnp.concatenate([edge_index[0], jnp.zeros((pad,), jnp.int32)])
  dst = jnp.concatenate([edge_index[1], jnp.full((pad,), n, jnp.int32)])
  src2d = src.reshape(-1, K)
  dst2d = dst.reshape(-1, K)
  zeros_hbm = jnp.zeros((ACC_ROWS, d), jnp.float32)

  agg0_k = _make_agg_kernel(n, d, e_pad, True)
  agg1_k = _make_agg_kernel(n, d, e_pad, False)

  part0, cnt = agg0_k(x, src2d, dst2d, zeros_hbm)
  part0 = part0[:, :n]
  cnt_sum = _cnt_reduce_tc(cnt.reshape(NC * NS, CNT_N))
  c3d = cnt_sum[0, :n].reshape(-1, 1, 400)

  h1 = _layer_tc(part0[0], part0[1], c3d, x, Wl0, bl0, Wr0,
                 relu=True, resid=None)
  part1 = agg1_k(h1, src2d, dst2d, zeros_hbm)
  if isinstance(part1, (list, tuple)):
    part1 = part1[0]
  part1 = part1[:, :n]
  out = _layer_tc(part1[0], part1[1], c3d, h1, Wl1, bl1, Wr1,
                  relu=False, resid=x)
  return out

# --- scband reference (transcript-rebuilt; emitter-appended) ---
"""Pipeline reference for scband-emb-graph-83107617178467 (READ-ONLY COPY).

The authoritative reference and input builder live on the scoring server;
editing this copy changes nothing except your own understanding.
"""

import jax, jax.numpy as jnp
import numpy as np

N = 10000
E = 320000
D = 128
H = 128


def _xavier(key, shape):
    fan_in, fan_out = shape[1], shape[0]
    limit = float(np.sqrt(6.0 / (fan_in + fan_out)))
    return jax.random.uniform(key, shape, jnp.float32, -limit, limit)


def setup_inputs(seed: int = 0) -> dict:
    key = jax.random.key(seed)
    ks = jax.random.split(key, 9)
    x = jax.random.normal(ks[0], (N, D), dtype=jnp.float32)
    edge_index = jax.random.randint(ks[1], (2, E), 0, N, dtype=jnp.int32)
    # Layer 0: SAGEConv(in=128, out=128); lin_l (neighbor aggr, with bias), lin_r (root, no bias)
    Wl0 = _xavier(ks[2], (H, D))
    bl0 = jax.random.uniform(ks[3], (H,), jnp.float32, -0.1, 0.1)
    Wr0 = _xavier(ks[4], (H, D))
    # Layer 1: SAGEConv(in=128, out=128)
    Wl1 = _xavier(ks[5], (D, H))
    bl1 = jax.random.uniform(ks[6], (D,), jnp.float32, -0.1, 0.1)
    Wr1 = _xavier(ks[7], (D, H))
    return {"x": x, "edge_index": edge_index, "Wl0": Wl0, "bl0": bl0, "Wr0": Wr0,
            "Wl1": Wl1, "bl1": bl1, "Wr1": Wr1}


def _sage_conv(h, edge_index, Wl, bl, Wr, num_nodes):
    src = edge_index[0]
    dst = edge_index[1]
    msg = jnp.take(h, src, axis=0)                                  # gather (SparseCore)
    agg_sum = jax.ops.segment_sum(msg, dst, num_segments=num_nodes)  # scatter-add
    cnt = jax.ops.segment_sum(jnp.ones((msg.shape[0],), h.dtype), dst, num_segments=num_nodes)
    agg = agg_sum / jnp.clip(cnt, 1.0, None)[:, None]               # mean aggregation
    return agg @ Wl.T + bl + h @ Wr.T


def reference(x, edge_index, Wl0, bl0, Wr0, Wl1, bl1, Wr1):
    num_nodes = x.shape[0]
    out = _sage_conv(x, edge_index, Wl0, bl0, Wr0, num_nodes)
    out = jax.nn.relu(out)
    out = _sage_conv(out, edge_index, Wl1, bl1, Wr1, num_nodes)
    return out + x

if __name__ == "__main__":
    import jax
    _d = setup_inputs()
    print(jax.jit(kernel)(*tuple(_d.values())))

</pallas_src>

<mosaic_0001>
#map = affine_map<(d0, d1) -> (0, 0)>
#map1 = affine_map<(d0, d1) -> (0, 0, 0)>
module attributes {stable_mosaic.version = 14 : i64} {
  func.func @body(%arg0: i32, %arg1: i32, %arg2: memref<10000x128xf32, #tpu.memory_space<hbm>>, %arg3: memref<2560x128xi32, #tpu.memory_space<hbm>>, %arg4: memref<2560x128xi32, #tpu.memory_space<hbm>>, %arg5: memref<10112x128xf32, #tpu.memory_space<hbm>>, %arg6: memref<2x10112x128xf32, #tpu.memory_space<hbm>>, %arg7: memref<8x128xi32, #tpu.memory_space<vmem>>, %arg8: memref<8x128xi32, #tpu.memory_space<vmem>>, %arg9: memref<128x128xf32, #tpu.memory_space<vmem>>, %arg10: memref<128x128xf32, #tpu.memory_space<vmem>>, %arg11: memref<!tpu.dma_semaphore, #tpu.memory_space<semaphore_mem>>, %arg12: memref<!tpu.dma_semaphore, #tpu.memory_space<semaphore_mem>>, %arg13: memref<!tpu.dma_semaphore, #tpu.memory_space<semaphore_mem>>, %arg14: memref<!tpu.dma_semaphore, #tpu.memory_space<semaphore_mem>>, %arg15: memref<10112x128xf32, #tpu.memory_space<vmem_shared>>) attributes {dimension_semantics = [#tpu.dimension_semantics<core_parallel>, #tpu.dimension_semantics<subcore_parallel>], iteration_bounds = array<i64: 2, 16>, scalar_prefetch = 0 : i64, scratch_operands = 9 : i64, tpu.core_type = #tpu.core_type<sc_vector_subcore>, window_params = [{transform_indices = #map}, {transform_indices = #map}, {transform_indices = #map}, {transform_indices = #map}, {transform_indices = #map1}]} {
    %mul3A = arith.constant 2 : i32
    %mul3A_0 = arith.muli %arg1, %mul3A : i32
    %add3A = arith.addi %mul3A_0, %arg0 : i32
    %mul3A_1 = arith.constant 632 : i32
    %mul3A_2 = arith.muli %arg1, %mul3A_1 : i32
    %multiple_of3A = tpu.assume_multiple %mul3A_2, 8 : i32
    "tpu.region"() ({
      %run_scoped3A = tpu.sem_alloc : memref<!tpu.dma_semaphore, #tpu.memory_space<semaphore_mem>>
      %dma_start3A = arith.constant 0 : i32
      %dma_start3A_12 = tpu.memref_slice %arg15[%multiple_of3A, %dma_start3A] : memref<10112x128xf32, #tpu.memory_space<vmem_shared>> -> memref<632x128xf32, #tpu.memory_space<vmem_shared>>
      %dma_start3A_13 = arith.constant 0 : i32
      %dma_start3A_14 = tpu.memref_slice %arg5[%multiple_of3A, %dma_start3A_13] : memref<10112x128xf32, #tpu.memory_space<hbm>> -> memref<632x128xf32, #tpu.memory_space<hbm>>
      tpu.enqueue_dma source(%dma_start3A_14 : memref<632x128xf32, #tpu.memory_space<hbm>>) target(%dma_start3A_12 : memref<632x128xf32, #tpu.memory_space<vmem_shared>>) target_semaphore(%run_scoped3A : memref<!tpu.dma_semaphore, #tpu.memory_space<semaphore_mem>>)
      %dma_wait3A = arith.constant 0 : i32
      %dma_wait3A_15 = tpu.memref_slice %arg15[%multiple_of3A, %dma_wait3A] : memref<10112x128xf32, #tpu.memory_space<vmem_shared>> -> memref<632x128xf32, #tpu.memory_space<vmem_shared>>
      %dma_wait3A_16 = arith.constant 0 : i32
      %dma_wait3A_17 = tpu.memref_slice %arg5[%multiple_of3A, %dma_wait3A_16] : memref<10112x128xf32, #tpu.memory_space<hbm>> -> memref<632x128xf32, #tpu.memory_space<hbm>>
      tpu.wait_dma2 semaphore(%run_scoped3A : memref<!tpu.dma_semaphore, #tpu.memory_space<semaphore_mem>>) src(%dma_wait3A_17 : memref<632x128xf32, #tpu.memory_space<hbm>>) dst(%dma_wait3A_15 : memref<632x128xf32, #tpu.memory_space<vmem_shared>>)
      tpu.yield
    }) : () -> ()
    %barrier3A = arith.constant 0 : index
    tpu.barrier barrier_id(%barrier3A)
    %mul3A_3 = arith.constant 80 : i32
    %mul3A_4 = arith.muli %add3A, %mul3A_3 : i32
    %broadcast_in_dim3A = arith.constant 1.000000e+00 : f32
    %broadcast_in_dim3A_5 = vector.broadcast %broadcast_in_dim3A : f32 to vector<16xf32>
    %scan3A = arith.constant 0 : i32
    %scan3A_6 = arith.constant 0 : i32
    %scan3A_7 = arith.constant 10 : i32
    %scan3A_8 = arith.addi %scan3A_6, %scan3A_7 : i32
    %scan3A_9 = arith.constant 1 : i32
    scf.for %scan3A_12 = %scan3A_6 to %scan3A_8 step %scan3A_9  : i32 {
      %mul3A_13 = arith.constant 8 : i32
      %mul3A_14 = arith.muli %scan3A_12, %mul3A_13 : i32
      %add3A_15 = arith.addi %mul3A_4, %mul3A_14 : i32
      %multiple_of3A_16 = tpu.assume_multiple %add3A_15, 8 : i32
      "tpu.region"() ({
        %run_scoped3A = tpu.sem_alloc : memref<!tpu.dma_semaphore, #tpu.memory_space<semaphore_mem>>
        %dma_start3A_239 = arith.constant 0 : i32
        %dma_start3A_240 = tpu.memref_slice %arg3[%multiple_of3A_16, %dma_start3A_239] : memref<2560x128xi32, #tpu.memory_space<hbm>> -> memref<8x128xi32, #tpu.memory_space<hbm>>
        %dma_start3A_241 = arith.constant 0 : i32
        %dma_start3A_242 = tpu.memref_slice %arg3[%multiple_of3A_16, %dma_start3A_241] : memref<2560x128xi32, #tpu.memory_space<hbm>> -> memref<8x128xi32, #tpu.memory_space<hbm>>
        tpu.enqueue_dma source(%dma_start3A_242 : memref<8x128xi32, #tpu.memory_space<hbm>>) target(%arg7 : memref<8x128xi32, #tpu.memory_space<vmem>>) target_semaphore(%run_scoped3A : memref<!tpu.dma_semaphore, #tpu.memory_space<semaphore_mem>>)
        %dma_wait3A_243 = arith.constant 0 : i32
        %dma_wait3A_244 = tpu.memref_slice %arg3[%multiple_of3A_16, %dma_wait3A_243] : memref<2560x128xi32, #tpu.memory_space<hbm>> -> memref<8x128xi32, #tpu.memory_space<hbm>>
        %dma_wait3A_245 = arith.constant 0 : i32
        %dma_wait3A_246 = tpu.memref_slice %arg3[%multiple_of3A_16, %dma_wait3A_245] : memref<2560x128xi32, #tpu.memory_space<hbm>> -> memref<8x128xi32, #tpu.memory_space<hbm>>
        tpu.wait_dma2 semaphore(%run_scoped3A : memref<!tpu.dma_semaphore, #tpu.memory_space<semaphore_mem>>) src(%dma_wait3A_246 : memref<8x128xi32, #tpu.memory_space<hbm>>) dst(%arg7 : memref<8x128xi32, #tpu.memory_space<vmem>>)
        tpu.yield
      }) : () -> ()
      "tpu.region"() ({
        %run_scoped3A = tpu.sem_alloc : memref<!tpu.dma_semaphore, #tpu.memory_space<semaphore_mem>>
        %dma_start3A_239 = arith.constant 0 : i32
        %dma_start3A_240 = tpu.memref_slice %arg4[%multiple_of3A_16, %dma_start3A_239] : memref<2560x128xi32, #tpu.memory_space<hbm>> -> memref<8x128xi32, #tpu.memory_space<hbm>>
        %dma_start3A_241 = arith.constant 0 : i32
        %dma_start3A_242 = tpu.memref_slice %arg4[%multiple_of3A_16, %dma_start3A_241] : memref<2560x128xi32, #tpu.memory_space<hbm>> -> memref<8x128xi32, #tpu.memory_space<hbm>>
        tpu.enqueue_dma source(%dma_start3A_242 : memref<8x128xi32, #tpu.memory_space<hbm>>) target(%arg8 : memref<8x128xi32, #tpu.memory_space<vmem>>) target_semaphore(%run_scoped3A : memref<!tpu.dma_semaphore, #tpu.memory_space<semaphore_mem>>)
        %dma_wait3A_243 = arith.constant 0 : i32
        %dma_wait3A_244 = tpu.memref_slice %arg4[%multiple_of3A_16, %dma_wait3A_243] : memref<2560x128xi32, #tpu.memory_space<hbm>> -> memref<8x128xi32, #tpu.memory_space<hbm>>
        %dma_wait3A_245 = arith.constant 0 : i32
        %dma_wait3A_246 = tpu.memref_slice %arg4[%multiple_of3A_16, %dma_wait3A_245] : memref<2560x128xi32, #tpu.memory_space<hbm>> -> memref<8x128xi32, #tpu.memory_space<hbm>>
        tpu.wait_dma2 semaphore(%run_scoped3A : memref<!tpu.dma_semaphore, #tpu.memory_space<semaphore_mem>>) src(%dma_wait3A_246 : memref<8x128xi32, #tpu.memory_space<hbm>>) dst(%arg8 : memref<8x128xi32, #tpu.memory_space<vmem>>)
        tpu.yield
      }) : () -> ()
      %dma_start3A = arith.constant 0 : i32
      %dma_start3A_17 = arith.constant 0 : i32
      %dma_start3A_18 = tpu.memref_slice %arg7[%dma_start3A, %dma_start3A_17] : memref<8x128xi32, #tpu.memory_space<vmem>> -> memref<1x128xi32, #tpu.memory_space<vmem>>
      %dma_start3A_19 = tpu.memref_squeeze %dma_start3A_18 : memref<1x128xi32, #tpu.memory_space<vmem>> -> memref<128xi32, #tpu.memory_space<vmem>>
      %dma_start3A_20 = arith.constant 0 : i32
      %dma_start3A_21 = arith.constant 0 : i32
      %dma_start3A_22 = tpu.memref_slice %arg2[%dma_start3A_20, %dma_start3A_21] : memref<10000x128xf32, #tpu.memory_space<hbm>> -> memref<10000x128xf32, #tpu.memory_space<hbm>>
      tpu.enqueue_indirect_dma source(%dma_start3A_22 : memref<10000x128xf32, #tpu.memory_space<hbm>>) target(%arg9 : memref<128x128xf32, #tpu.memory_space<vmem>>) offsets(%dma_start3A_19 : memref<128xi32, #tpu.memory_space<vmem>>) semaphore(%arg11 : memref<!tpu.dma_semaphore, #tpu.memory_space<semaphore_mem>>)
      %dma_wait3A = arith.constant 0 : i32
      %dma_wait3A_23 = arith.constant 0 : i32
      %dma_wait3A_24 = tpu.memref_slice %arg7[%dma_wait3A, %dma_wait3A_23] : memref<8x128xi32, #tpu.memory_space<vmem>> -> memref<1x128xi32, #tpu.memory_space<vmem>>
      %dma_wait3A_25 = tpu.memref_squeeze %dma_wait3A_24 : memref<1x128xi32, #tpu.memory_space<vmem>> -> memref<128xi32, #tpu.memory_space<vmem>>
      %dma_wait3A_26 = arith.constant 0 : i32
      %dma_wait3A_27 = arith.constant 0 : i32
      %dma_wait3A_28 = tpu.memref_slice %arg2[%dma_wait3A_26, %dma_wait3A_27] : memref<10000x128xf32, #tpu.memory_space<hbm>> -> memref<10000x128xf32, #tpu.memory_space<hbm>>
      tpu.wait_indirect_dma semaphore(%arg11 : memref<!tpu.dma_semaphore, #tpu.memory_space<semaphore_mem>>) src(%dma_wait3A_28 : memref<10000x128xf32, #tpu.memory_space<hbm>>) dst(%arg9 : memref<128x128xf32, #tpu.memory_space<vmem>>)
      %dma_start3A_29 = arith.constant 0 : i32
      %dma_start3A_30 = arith.constant 0 : i32
      %dma_start3A_31 = tpu.memref_slice %arg8[%dma_start3A_29, %dma_start3A_30] : memref<8x128xi32, #tpu.memory_space<vmem>> -> memref<1x128xi32, #tpu.memory_space<vmem>>
      %dma_start3A_32 = tpu.memref_squeeze %dma_start3A_31 : memref<1x128xi32, #tpu.memory_space<vmem>> -> memref<128xi32, #tpu.memory_space<vmem>>
      %dma_start3A_33 = arith.constant 0 : i32
      %dma_start3A_34 = arith.constant 0 : i32
      %dma_start3A_35 = tpu.memref_slice %arg15[%dma_start3A_33, %dma_start3A_34] : memref<10112x128xf32, #tpu.memory_space<vmem_shared>> -> memref<10112x128xf32, #tpu.memory_space<vmem_shared>>
      tpu.enqueue_indirect_dma source(%arg9 : memref<128x128xf32, #tpu.memory_space<vmem>>) target(%dma_start3A_35 : memref<10112x128xf32, #tpu.memory_space<vmem_shared>>) offsets(%dma_start3A_32 : memref<128xi32, #tpu.memory_space<vmem>>) semaphore(%arg13 : memref<!tpu.dma_semaphore, #tpu.memory_space<semaphore_mem>>) {add = true}
      %dma_start3A_36 = arith.constant 1 : i32
      %dma_start3A_37 = arith.constant 0 : i32
      %dma_start3A_38 = tpu.memref_slice %arg7[%dma_start3A_36, %dma_start3A_37] : memref<8x128xi32, #tpu.memory_space<vmem>> -> memref<1x128xi32, #tpu.memory_space<vmem>>
      %dma_start3A_39 = tpu.memref_squeeze %dma_start3A_38 : memref<1x128xi32, #tpu.memory_space<vmem>> -> memref<128xi32, #tpu.memory_space<vmem>>
      %dma_start3A_40 = arith.constant 0 : i32
      %dma_start3A_41 = arith.constant 0 : i32
      %dma_start3A_42 = tpu.memref_slice %arg2[%dma_start3A_40, %dma_start3A_41] : memref<10000x128xf32, #tpu.memory_space<hbm>> -> memref<10000x128xf32, #tpu.memory_space<hbm>>
      tpu.enqueue_indirect_dma source(%dma_start3A_42 : memref<10000x128xf32, #tpu.memory_space<hbm>>) target(%arg10 : memref<128x128xf32, #tpu.memory_space<vmem>>) offsets(%dma_start3A_39 : memref<128xi32, #tpu.memory_space<vmem>>) semaphore(%arg12 : memref<!tpu.dma_semaphore, #tpu.memory_space<semaphore_mem>>)
      %dma_wait3A_43 = arith.constant 1 : i32
      %dma_wait3A_44 = arith.constant 0 : i32
      %dma_wait3A_45 = tpu.memref_slice %arg7[%dma_wait3A_43, %dma_wait3A_44] : memref<8x128xi32, #tpu.memory_space<vmem>> -> memref<1x128xi32, #tpu.memory_space<vmem>>
      %dma_wait3A_46 = tpu.memref_squeeze %dma_wait3A_45 : memref<1x128xi32, #tpu.memory_space<vmem>> -> memref<128xi32, #tpu.memory_space<vmem>>
      %dma_wait3A_47 = arith.constant 0 : i32
      %dma_wait3A_48 = arith.constant 0 : i32
      %dma_wait3A_49 = tpu.memref_slice %arg2[%dma_wait3A_47, %dma_wait3A_48] : memref<10000x128xf32, #tpu.memory_space<hbm>> -> memref<10000x128xf32, #tpu.memory_space<hbm>>
      tpu.wait_indirect_dma semaphore(%arg12 : memref<!tpu.dma_semaphore, #tpu.memory_space<semaphore_mem>>) src(%dma_wait3A_49 : memref<10000x128xf32, #tpu.memory_space<hbm>>) dst(%arg10 : memref<128x128xf32, #tpu.memory_space<vmem>>)
      %dma_start3A_50 = arith.constant 1 : i32
      %dma_start3A_51 = arith.constant 0 : i32
      %dma_start3A_52 = tpu.memref_slice %arg8[%dma_start3A_50, %dma_start3A_51] : memref<8x128xi32, #tpu.memory_space<vmem>> -> memref<1x128xi32, #tpu.memory_space<vmem>>
      %dma_start3A_53 = tpu.memref_squeeze %dma_start3A_52 : memref<1x128xi32, #tpu.memory_space<vmem>> -> memref<128xi32, #tpu.memory_space<vmem>>
      %dma_start3A_54 = arith.constant 0 : i32
      %dma_start3A_55 = arith.constant 0 : i32
      %dma_start3A_56 = tpu.memref_slice %arg15[%dma_start3A_54, %dma_start3A_55] : memref<10112x128xf32, #tpu.memory_space<vmem_shared>> -> memref<10112x128xf32, #tpu.memory_space<vmem_shared>>
      tpu.enqueue_indirect_dma source(%arg10 : memref<128x128xf32, #tpu.memory_space<vmem>>) target(%dma_start3A_56 : memref<10112x128xf32, #tpu.memory_space<vmem_shared>>) offsets(%dma_start3A_53 : memref<128xi32, #tpu.memory_space<vmem>>) semaphore(%arg14 : memref<!tpu.dma_semaphore, #tpu.memory_space<semaphore_mem>>) {add = true}
      %dma_wait3A_57 = arith.constant 0 : i32
      %dma_wait3A_58 = arith.constant 0 : i32
      %dma_wait3A_59 = tpu.memref_slice %arg8[%dma_wait3A_57, %dma_wait3A_58] : memref<8x128xi32, #tpu.memory_space<vmem>> -> memref<1x128xi32, #tpu.memory_space<vmem>>
      %dma_wait3A_60 = tpu.memref_squeeze %dma_wait3A_59 : memref<1x128xi32, #tpu.memory_space<vmem>> -> memref<128xi32, #tpu.memory_space<vmem>>
      %dma_wait3A_61 = arith.constant 0 : i32
      %dma_wait3A_62 = arith.constant 0 : i32
      %dma_wait3A_63 = tpu.memref_slice %arg15[%dma_wait3A_61, %dma_wait3A_62] : memref<10112x128xf32, #tpu.memory_space<vmem_shared>> -> memref<10112x128xf32, #tpu.memory_space<vmem_shared>>
      tpu.wait_indirect_dma semaphore(%arg13 : memref<!tpu.dma_semaphore, #tpu.memory_space<semaphore_mem>>) src(%arg9 : memref<128x128xf32, #tpu.memory_space<vmem>>) dst(%dma_wait3A_63 : memref<10112x128xf32, #tpu.memory_space<vmem_shared>>)
      %dma_start3A_64 = arith.constant 2 : i32
      %dma_start3A_65 = arith.constant 0 : i32
      %dma_start3A_66 = tpu.memref_slice %arg7[%dma_start3A_64, %dma_start3A_65] : memref<8x128xi32, #tpu.memory_space<vmem>> -> memref<1x128xi32, #tpu.memory_space<vmem>>
      %dma_start3A_67 = tpu.memref_squeeze %dma_start3A_66 : memref<1x128xi32, #tpu.memory_space<vmem>> -> memref<128xi32, #tpu.memory_space<vmem>>
      %dma_start3A_68 = arith.constant 0 : i32
      %dma_start3A_69 = arith.constant 0 : i32
      %dma_start3A_70 = tpu.memref_slice %arg2[%dma_start3A_68, %dma_start3A_69] : memref<10000x128xf32, #tpu.memory_space<hbm>> -> memref<10000x128xf32, #tpu.memory_space<hbm>>
      tpu.enqueue_indirect_dma source(%dma_start3A_70 : memref<10000x128xf32, #tpu.memory_space<hbm>>) target(%arg9 : memref<128x128xf32, #tpu.memory_space<vmem>>) offsets(%dma_start3A_67 : memref<128xi32, #tpu.memory_space<vmem>>) semaphore(%arg11 : memref<!tpu.dma_semaphore, #tpu.memory_space<semaphore_mem>>)
      %dma_wait3A_71 = arith.constant 2 : i32
      %dma_wait3A_72 = arith.constant 0 : i32
      %dma_wait3A_73 = tpu.memref_slice %arg7[%dma_wait3A_71, %dma_wait3A_72] : memref<8x128xi32, #tpu.memory_space<vmem>> -> memref<1x128xi32, #tpu.memory_space<vmem>>
      %dma_wait3A_74 = tpu.memref_squeeze %dma_wait3A_73 : memref<1x128xi32, #tpu.memory_space<vmem>> -> memref<128xi32, #tpu.memory_space<vmem>>
      %dma_wait3A_75 = arith.constant 0 : i32
      %dma_wait3A_76 = arith.constant 0 : i32
      %dma_wait3A_77 = tpu.memref_slice %arg2[%dma_wait3A_75, %dma_wait3A_76] : memref<10000x128xf32, #tpu.memory_space<hbm>> -> memref<10000x128xf32, #tpu.memory_space<hbm>>
      tpu.wait_indirect_dma semaphore(%arg11 : memref<!tpu.dma_semaphore, #tpu.memory_space<semaphore_mem>>) src(%dma_wait3A_77 : memref<10000x128xf32, #tpu.memory_space<hbm>>) dst(%arg9 : memref<128x128xf32, #tpu.memory_space<vmem>>)
      %dma_start3A_78 = arith.constant 2 : i32
      %dma_start3A_79 = arith.constant 0 : i32
      %dma_start3A_80 = tpu.memref_slice %arg8[%dma_start3A_78, %dma_start3A_79] : memref<8x128xi32, #tpu.memory_space<vmem>> -> memref<1x128xi32, #tpu.memory_space<vmem>>
      %dma_start3A_81 = tpu.memref_squeeze %dma_start3A_80 : memref<1x128xi32, #tpu.memory_space<vmem>> -> memref<128xi32, #tpu.memory_space<vmem>>
      %dma_start3A_82 = arith.constant 0 : i32
      %dma_start3A_83 = arith.constant 0 : i32
      %dma_start3A_84 = tpu.memref_slice %arg15[%dma_start3A_82, %dma_start3A_83] : memref<10112x128xf32, #tpu.memory_space<vmem_shared>> -> memref<10112x128xf32, #tpu.memory_space<vmem_shared>>
      tpu.enqueue_indirect_dma source(%arg9 : memref<128x128xf32, #tpu.memory_space<vmem>>) target(%dma_start3A_84 : memref<10112x128xf32, #tpu.memory_space<vmem_shared>>) offsets(%dma_start3A_81 : memref<128xi32, #tpu.memory_space<vmem>>) semaphore(%arg13 : memref<!tpu.dma_semaphore, #tpu.memory_space<semaphore_mem>>) {add = true}
      %dma_wait3A_85 = arith.constant 1 : i32
      %dma_wait3A_86 = arith.constant 0 : i32
      %dma_wait3A_87 = tpu.memref_slice %arg8[%dma_wait3A_85, %dma_wait3A_86] : memref<8x128xi32, #tpu.memory_space<vmem>> -> memref<1x128xi32, #tpu.memory_space<vmem>>
      %dma_wait3A_88 = tpu.memref_squeeze %dma_wait3A_87 : memref<1x128xi32, #tpu.memory_space<vmem>> -> memref<128xi32, #tpu.memory_space<vmem>>
      %dma_wait3A_89 = arith.constant 0 : i32
      %dma_wait3A_90 = arith.constant 0 : i32
      %dma_wait3A_91 = tpu.memref_slice %arg15[%dma_wait3A_89, %dma_wait3A_90] : memref<10112x128xf32, #tpu.memory_space<vmem_shared>> -> memref<10112x128xf32, #tpu.memory_space<vmem_shared>>
      tpu.wait_indirect_dma semaphore(%arg14 : memref<!tpu.dma_semaphore, #tpu.memory_space<semaphore_mem>>) src(%arg10 : memref<128x128xf32, #tpu.memory_space<vmem>>) dst(%dma_wait3A_91 : memref<10112x128xf32, #tpu.memory_space<vmem_shared>>)
      %dma_start3A_92 = arith.constant 3 : i32
      %dma_start3A_93 = arith.constant 0 : i32
      %dma_start3A_94 = tpu.memref_slice %arg7[%dma_start3A_92, %dma_start3A_93] : memref<8x128xi32, #tpu.memory_space<vmem>> -> memref<1x128xi32, #tpu.memory_space<vmem>>
      %dma_start3A_95 = tpu.memref_squeeze %dma_start3A_94 : memref<1x128xi32, #tpu.memory_space<vmem>> -> memref<128xi32, #tpu.memory_space<vmem>>
      %dma_start3A_96 = arith.constant 0 : i32
      %dma_start3A_97 = arith.constant 0 : i32
      %dma_start3A_98 = tpu.memref_slice %arg2[%dma_start3A_96, %dma_start3A_97] : memref<10000x128xf32, #tpu.memory_space<hbm>> -> memref<10000x128xf32, #tpu.memory_space<hbm>>
      tpu.enqueue_indirect_dma source(%dma_start3A_98 : memref<10000x128xf32, #tpu.memory_space<hbm>>) target(%arg10 : memref<128x128xf32, #tpu.memory_space<vmem>>) offsets(%dma_start3A_95 : memref<128xi32, #tpu.memory_space<vmem>>) semaphore(%arg12 : memref<!tpu.dma_semaphore, #tpu.memory_space<semaphore_mem>>)
      %dma_wait3A_99 = arith.constant 3 : i32
      %dma_wait3A_100 = arith.constant 0 : i32
      %dma_wait3A_101 = tpu.memref_slice %arg7[%dma_wait3A_99, %dma_wait3A_100] : memref<8x128xi32, #tpu.memory_space<vmem>> -> memref<1x128xi32, #tpu.memory_space<vmem>>
      %dma_wait3A_102 = tpu.memref_squeeze %dma_wait3A_101 : memref<1x128xi32, #tpu.memory_space<vmem>> -> memref<128xi32, #tpu.memory_space<vmem>>
      %dma_wait3A_103 = arith.constant 0 : i32
      %dma_wait3A_104 = arith.constant 0 : i32
      %dma_wait3A_105 = tpu.memref_slice %arg2[%dma_wait3A_103, %dma_wait3A_104] : memref<10000x128xf32, #tpu.memory_space<hbm>> -> memref<10000x128xf32, #tpu.memory_space<hbm>>
      tpu.wait_indirect_dma semaphore(%arg12 : memref<!tpu.dma_semaphore, #tpu.memory_space<semaphore_mem>>) src(%dma_wait3A_105 : memref<10000x128xf32, #tpu.memory_space<hbm>>) dst(%arg10 : memref<128x128xf32, #tpu.memory_space<vmem>>)
      %dma_start3A_106 = arith.constant 3 : i32
      %dma_start3A_107 = arith.constant 0 : i32
      %dma_start3A_108 = tpu.memref_slice %arg8[%dma_start3A_106, %dma_start3A_107] : memref<8x128xi32, #tpu.memory_space<vmem>> -> memref<1x128xi32, #tpu.memory_space<vmem>>
      %dma_start3A_109 = tpu.memref_squeeze %dma_start3A_108 : memref<1x128xi32, #tpu.memory_space<vmem>> -> memref<128xi32, #tpu.memory_space<vmem>>
      %dma_start3A_110 = arith.constant 0 : i32
      %dma_start3A_111 = arith.constant 0 : i32
      %dma_start3A_112 = tpu.memref_slice %arg15[%dma_start3A_110, %dma_start3A_111] : memref<10112x128xf32, #tpu.memory_space<vmem_shared>> -> memref<10112x128xf32, #tpu.memory_space<vmem_shared>>
      tpu.enqueue_indirect_dma source(%arg10 : memref<128x128xf32, #tpu.memory_space<vmem>>) target(%dma_start3A_112 : memref<10112x128xf32, #tpu.memory_space<vmem_shared>>) offsets(%dma_start3A_109 : memref<128xi32, #tpu.memory_space<vmem>>) semaphore(%arg14 : memref<!tpu.dma_semaphore, #tpu.memory_space<semaphore_mem>>) {add = true}
      %dma_wait3A_113 = arith.constant 2 : i32
      %dma_wait3A_114 = arith.constant 0 : i32
      %dma_wait3A_115 = tpu.memref_slice %arg8[%dma_wait3A_113, %dma_wait3A_114] : memref<8x128xi32, #tpu.memory_space<vmem>> -> memref<1x128xi32, #tpu.memory_space<vmem>>
      %dma_wait3A_116 = tpu.memref_squeeze %dma_wait3A_115 : memref<1x128xi32, #tpu.memory_space<vmem>> -> memref<128xi32, #tpu.memory_space<vmem>>
      %dma_wait3A_117 = arith.constant 0 : i32
      %dma_wait3A_118 = arith.constant 0 : i32
      %dma_wait3A_119 = tpu.memref_slice %arg15[%dma_wait3A_117, %dma_wait3A_118] : memref<10112x128xf32, #tpu.memory_space<vmem_shared>> -> memref<10112x128xf32, #tpu.memory_space<vmem_shared>>
      tpu.wait_indirect_dma semaphore(%arg13 : memref<!tpu.dma_semaphore, #tpu.memory_space<semaphore_mem>>) src(%arg9 : memref<128x128xf32, #tpu.memory_space<vmem>>) dst(%dma_wait3A_119 : memref<10112x128xf32, #tpu.memory_space<vmem_shared>>)
      %dma_start3A_120 = arith.constant 4 : i32
      %dma_start3A_121 = arith.constant 0 : i32
      %dma_start3A_122 = tpu.memref_slice %arg7[%dma_start3A_120, %dma_start3A_121] : memref<8x128xi32, #tpu.memory_space<vmem>> -> memref<1x128xi32, #tpu.memory_space<vmem>>
      %dma_start3A_123 = tpu.memref_squeeze %dma_start3A_122 : memref<1x128xi32, #tpu.memory_space<vmem>> -> memref<128xi32, #tpu.memory_space<vmem>>
      %dma_start3A_124 = arith.constant 0 : i32
      %dma_start3A_125 = arith.constant 0 : i32
      %dma_start3A_126 = tpu.memref_slice %arg2[%dma_start3A_124, %dma_start3A_125] : memref<10000x128xf32, #tpu.memory_space<hbm>> -> memref<10000x128xf32, #tpu.memory_space<hbm>>
      tpu.enqueue_indirect_dma source(%dma_start3A_126 : memref<10000x128xf32, #tpu.memory_space<hbm>>) target(%arg9 : memref<128x128xf32, #tpu.memory_space<vmem>>) offsets(%dma_start3A_123 : memref<128xi32, #tpu.memory_space<vmem>>) semaphore(%arg11 : memref<!tpu.dma_semaphore, #tpu.memory_space<semaphore_mem>>)
      %dma_wait3A_127 = arith.constant 4 : i32
      %dma_wait3A_128 = arith.constant 0 : i32
      %dma_wait3A_129 = tpu.memref_slice %arg7[%dma_wait3A_127, %dma_wait3A_128] : memref<8x128xi32, #tpu.memory_space<vmem>> -> memref<1x128xi32, #tpu.memory_space<vmem>>
      %dma_wait3A_130 = tpu.memref_squeeze %dma_wait3A_129 : memref<1x128xi32, #tpu.memory_space<vmem>> -> memref<128xi32, #tpu.memory_space<vmem>>
      %dma_wait3A_131 = arith.constant 0 : i32
      %dma_wait3A_132 = arith.constant 0 : i32
      %dma_wait3A_133 = tpu.memref_slice %arg2[%dma_wait3A_131, %dma_wait3A_132] : memref<10000x128xf32, #tpu.memory_space<hbm>> -> memref<10000x128xf32, #tpu.memory_space<hbm>>
      tpu.wait_indirect_dma semaphore(%arg11 : memref<!tpu.dma_semaphore, #tpu.memory_space<semaphore_mem>>) src(%dma_wait3A_133 : memref<10000x128xf32, #tpu.memory_space<hbm>>) dst(%arg9 : memref<128x128xf32, #tpu.memory_space<vmem>>)
      %dma_start3A_134 = arith.constant 4 : i32
      %dma_start3A_135 = arith.constant 0 : i32
      %dma_start3A_136 = tpu.memref_slice %arg8[%dma_start3A_134, %dma_start3A_135] : memref<8x128xi32, #tpu.memory_space<vmem>> -> memref<1x128xi32, #tpu.memory_space<vmem>>
      %dma_start3A_137 = tpu.memref_squeeze %dma_start3A_136 : memref<1x128xi32, #tpu.memory_space<vmem>> -> memref<128xi32, #tpu.memory_space<vmem>>
      %dma_start3A_138 = arith.constant 0 : i32
      %dma_start3A_139 = arith.constant 0 : i32
      %dma_start3A_140 = tpu.memref_slice %arg15[%dma_start3A_138, %dma_start3A_139] : memref<10112x128xf32, #tpu.memory_space<vmem_shared>> -> memref<10112x128xf32, #tpu.memory_space<vmem_shared>>
      tpu.enqueue_indirect_dma source(%arg9 : memref<128x128xf32, #tpu.memory_space<vmem>>) target(%dma_start3A_140 : memref<10112x128xf32, #tpu.memory_space<vmem_shared>>) offsets(%dma_start3A_137 : memref<128xi32, #tpu.memory_space<vmem>>) semaphore(%arg13 : memref<!tpu.dma_semaphore, #tpu.memory_space<semaphore_mem>>) {add = true}
      %dma_wait3A_141 = arith.constant 3 : i32
      %dma_wait3A_142 = arith.constant 0 : i32
      %dma_wait3A_143 = tpu.memref_slice %arg8[%dma_wait3A_141, %dma_wait3A_142] : memref<8x128xi32, #tpu.memory_space<vmem>> -> memref<1x128xi32, #tpu.memory_space<vmem>>
      %dma_wait3A_144 = tpu.memref_squeeze %dma_wait3A_143 : memref<1x128xi32, #tpu.memory_space<vmem>> -> memref<128xi32, #tpu.memory_space<vmem>>
      %dma_wait3A_145 = arith.constant 0 : i32
      %dma_wait3A_146 = arith.constant 0 : i32
      %dma_wait3A_147 = tpu.memref_slice %arg15[%dma_wait3A_145, %dma_wait3A_146] : memref<10112x128xf32, #tpu.memory_space<vmem_shared>> -> memref<10112x128xf32, #tpu.memory_space<vmem_shared>>
      tpu.wait_indirect_dma semaphore(%arg14 : memref<!tpu.dma_semaphore, #tpu.memory_space<semaphore_mem>>) src(%arg10 : memref<128x128xf32, #tpu.memory_space<vmem>>) dst(%dma_wait3A_147 : memref<10112x128xf32, #tpu.memory_space<vmem_shared>>)
      %dma_start3A_148 = arith.constant 5 : i32
      %dma_start3A_149 = arith.constant 0 : i32
      %dma_start3A_150 = tpu.memref_slice %arg7[%dma_start3A_148, %dma_start3A_149] : memref<8x128xi32, #tpu.memory_space<vmem>> -> memref<1x128xi32, #tpu.memory_space<vmem>>
      %dma_start3A_151 = tpu.memref_squeeze %dma_start3A_150 : memref<1x128xi32, #tpu.memory_space<vmem>> -> memref<128xi32, #tpu.memory_space<vmem>>
      %dma_start3A_152 = arith.constant 0 : i32
      %dma_start3A_153 = arith.constant 0 : i32
      %dma_start3A_154 = tpu.memref_slice %arg2[%dma_start3A_152, %dma_start3A_153] : memref<10000x128xf32, #tpu.memory_space<hbm>> -> memref<10000x128xf32, #tpu.memory_space<hbm>>
      tpu.enqueue_indirect_dma source(%dma_start3A_154 : memref<10000x128xf32, #tpu.memory_space<hbm>>) target(%arg10 : memref<128x128xf32, #tpu.memory_space<vmem>>) offsets(%dma_start3A_151 : memref<128xi32, #tpu.memory_space<vmem>>) semaphore(%arg12 : memref<!tpu.dma_semaphore, #tpu.memory_space<semaphore_mem>>)
      %dma_wait3A_155 = arith.constant 5 : i32
      %dma_wait3A_156 = arith.constant 0 : i32
      %dma_wait3A_157 = tpu.memref_slice %arg7[%dma_wait3A_155, %dma_wait3A_156] : memref<8x128xi32, #tpu.memory_space<vmem>> -> memref<1x128xi32, #tpu.memory_space<vmem>>
      %dma_wait3A_158 = tpu.memref_squeeze %dma_wait3A_157 : memref<1x128xi32, #tpu.memory_space<vmem>> -> memref<128xi32, #tpu.memory_space<vmem>>
      %dma_wait3A_159 = arith.constant 0 : i32
      %dma_wait3A_160 = arith.constant 0 : i32
      %dma_wait3A_161 = tpu.memref_slice %arg2[%dma_wait3A_159, %dma_wait3A_160] : memref<10000x128xf32, #tpu.memory_space<hbm>> -> memref<10000x128xf32, #tpu.memory_space<hbm>>
      tpu.wait_indirect_dma semaphore(%arg12 : memref<!tpu.dma_semaphore, #tpu.memory_space<semaphore_mem>>) src(%dma_wait3A_161 : memref<10000x128xf32, #tpu.memory_space<hbm>>) dst(%arg10 : memref<128x128xf32, #tpu.memory_space<vmem>>)
      %dma_start3A_162 = arith.constant 5 : i32
      %dma_start3A_163 = arith.constant 0 : i32
      %dma_start3A_164 = tpu.memref_slice %arg8[%dma_start3A_162, %dma_start3A_163] : memref<8x128xi32, #tpu.memory_space<vmem>> -> memref<1x128xi32, #tpu.memory_space<vmem>>
      %dma_start3A_165 = tpu.memref_squeeze %dma_start3A_164 : memref<1x128xi32, #tpu.memory_space<vmem>> -> memref<128xi32, #tpu.memory_space<vmem>>
      %dma_start3A_166 = arith.constant 0 : i32
      %dma_start3A_167 = arith.constant 0 : i32
      %dma_start3A_168 = tpu.memref_slice %arg15[%dma_start3A_166, %dma_start3A_167] : memref<10112x128xf32, #tpu.memory_space<vmem_shared>> -> memref<10112x128xf32, #tpu.memory_space<vmem_shared>>
      tpu.enqueue_indirect_dma source(%arg10 : memref<128x128xf32, #tpu.memory_space<vmem>>) target(%dma_start3A_168 : memref<10112x128xf32, #tpu.memory_space<vmem_shared>>) offsets(%dma_start3A_165 : memref<128xi32, #tpu.memory_space<vmem>>) semaphore(%arg14 : memref<!tpu.dma_semaphore, #tpu.memory_space<semaphore_mem>>) {add = true}
      %dma_wait3A_169 = arith.constant 4 : i32
      %dma_wait3A_170 = arith.constant 0 : i32
      %dma_wait3A_171 = tpu.memref_slice %arg8[%dma_wait3A_169, %dma_wait3A_170] : memref<8x128xi32, #tpu.memory_space<vmem>> -> memref<1x128xi32, #tpu.memory_space<vmem>>
      %dma_wait3A_172 = tpu.memref_squeeze %dma_wait3A_171 : memref<1x128xi32, #tpu.memory_space<vmem>> -> memref<128xi32, #tpu.memory_space<vmem>>
      %dma_wait3A_173 = arith.constant 0 : i32
      %dma_wait3A_174 = arith.constant 0 : i32
      %dma_wait3A_175 = tpu.memref_slice %arg15[%dma_wait3A_173, %dma_wait3A_174] : memref<10112x128xf32, #tpu.memory_space<vmem_shared>> -> memref<10112x128xf32, #tpu.memory_space<vmem_shared>>
      tpu.wait_indirect_dma semaphore(%arg13 : memref<!tpu.dma_semaphore, #tpu.memory_space<semaphore_mem>>) src(%arg9 : memref<128x128xf32, #tpu.memory_space<vmem>>) dst(%dma_wait3A_175 : memref<10112x128xf32, #tpu.memory_space<vmem_shared>>)
      %dma_start3A_176 = arith.constant 6 : i32
      %dma_start3A_177 = arith.constant 0 : i32
      %dma_start3A_178 = tpu.memref_slice %arg7[%dma_start3A_176, %dma_start3A_177] : memref<8x128xi32, #tpu.memory_space<vmem>> -> memref<1x128xi32, #tpu.memory_space<vmem>>
      %dma_start3A_179 = tpu.memref_squeeze %dma_start3A_178 : memref<1x128xi32, #tpu.memory_space<vmem>> -> memref<128xi32, #tpu.memory_space<vmem>>
      %dma_start3A_180 = arith.constant 0 : i32
      %dma_start3A_181 = arith.constant 0 : i32
      %dma_start3A_182 = tpu.memref_slice %arg2[%dma_start3A_180, %dma_start3A_181] : memref<10000x128xf32, #tpu.memory_space<hbm>> -> memref<10000x128xf32, #tpu.memory_space<hbm>>
      tpu.enqueue_indirect_dma source(%dma_start3A_182 : memref<10000x128xf32, #tpu.memory_space<hbm>>) target(%arg9 : memref<128x128xf32, #tpu.memory_space<vmem>>) offsets(%dma_start3A_179 : memref<128xi32, #tpu.memory_space<vmem>>) semaphore(%arg11 : memref<!tpu.dma_semaphore, #tpu.memory_space<semaphore_mem>>)
      %dma_wait3A_183 = arith.constant 6 : i32
      %dma_wait3A_184 = arith.constant 0 : i32
      %dma_wait3A_185 = tpu.memref_slice %arg7[%dma_wait3A_183, %dma_wait3A_184] : memref<8x128xi32, #tpu.memory_space<vmem>> -> memref<1x128xi32, #tpu.memory_space<vmem>>
      %dma_wait3A_186 = tpu.memref_squeeze %dma_wait3A_185 : memref<1x128xi32, #tpu.memory_space<vmem>> -> memref<128xi32, #tpu.memory_space<vmem>>
      %dma_wait3A_187 = arith.constant 0 : i32
      %dma_wait3A_188 = arith.constant 0 : i32
      %dma_wait3A_189 = tpu.memref_slice %arg2[%dma_wait3A_187, %dma_wait3A_188] : memref<10000x128xf32, #tpu.memory_space<hbm>> -> memref<10000x128xf32, #tpu.memory_space<hbm>>
      tpu.wait_indirect_dma semaphore(%arg11 : memref<!tpu.dma_semaphore, #tpu.memory_space<semaphore_mem>>) src(%dma_wait3A_189 : memref<10000x128xf32, #tpu.memory_space<hbm>>) dst(%arg9 : memref<128x128xf32, #tpu.memory_space<vmem>>)
      %dma_start3A_190 = arith.constant 6 : i32
      %dma_start3A_191 = arith.constant 0 : i32
      %dma_start3A_192 = tpu.memref_slice %arg8[%dma_start3A_190, %dma_start3A_191] : memref<8x128xi32, #tpu.memory_space<vmem>> -> memref<1x128xi32, #tpu.memory_space<vmem>>
      %dma_start3A_193 = tpu.memref_squeeze %dma_start3A_192 : memref<1x128xi32, #tpu.memory_space<vmem>> -> memref<128xi32, #tpu.memory_space<vmem>>
      %dma_start3A_194 = arith.constant 0 : i32
      %dma_start3A_195 = arith.constant 0 : i32
      %dma_start3A_196 = tpu.memref_slice %arg15[%dma_start3A_194, %dma_start3A_195] : memref<10112x128xf32, #tpu.memory_space<vmem_shared>> -> memref<10112x128xf32, #tpu.memory_space<vmem_shared>>
      tpu.enqueue_indirect_dma source(%arg9 : memref<128x128xf32, #tpu.memory_space<vmem>>) target(%dma_start3A_196 : memref<10112x128xf32, #tpu.memory_space<vmem_shared>>) offsets(%dma_start3A_193 : memref<128xi32, #tpu.memory_space<vmem>>) semaphore(%arg13 : memref<!tpu.dma_semaphore, #tpu.memory_space<semaphore_mem>>) {add = true}
      %dma_wait3A_197 = arith.constant 5 : i32
      %dma_wait3A_198 = arith.constant 0 : i32
      %dma_wait3A_199 = tpu.memref_slice %arg8[%dma_wait3A_197, %dma_wait3A_198] : memref<8x128xi32, #tpu.memory_space<vmem>> -> memref<1x128xi32, #tpu.memory_space<vmem>>
      %dma_wait3A_200 = tpu.memref_squeeze %dma_wait3A_199 : memref<1x128xi32, #tpu.memory_space<vmem>> -> memref<128xi32, #tpu.memory_space<vmem>>
      %dma_wait3A_201 = arith.constant 0 : i32
      %dma_wait3A_202 = arith.constant 0 : i32
      %dma_wait3A_203 = tpu.memref_slice %arg15[%dma_wait3A_201, %dma_wait3A_202] : memref<10112x128xf32, #tpu.memory_space<vmem_shared>> -> memref<10112x128xf32, #tpu.memory_space<vmem_shared>>
      tpu.wait_indirect_dma semaphore(%arg14 : memref<!tpu.dma_semaphore, #tpu.memory_space<semaphore_mem>>) src(%arg10 : memref<128x128xf32, #tpu.memory_space<vmem>>) dst(%dma_wait3A_203 : memref<10112x128xf32, #tpu.memory_space<vmem_shared>>)
      %dma_start3A_204 = arith.constant 7 : i32
      %dma_start3A_205 = arith.constant 0 : i32
      %dma_start3A_206 = tpu.memref_slice %arg7[%dma_start3A_204, %dma_start3A_205] : memref<8x128xi32, #tpu.memory_space<vmem>> -> memref<1x128xi32, #tpu.memory_space<vmem>>
      %dma_start3A_207 = tpu.memref_squeeze %dma_start3A_206 : memref<1x128xi32, #tpu.memory_space<vmem>> -> memref<128xi32, #tpu.memory_space<vmem>>
      %dma_start3A_208 = arith.constant 0 : i32
      %dma_start3A_209 = arith.constant 0 : i32
      %dma_start3A_210 = tpu.memref_slice %arg2[%dma_start3A_208, %dma_start3A_209] : memref<10000x128xf32, #tpu.memory_space<hbm>> -> memref<10000x128xf32, #tpu.memory_space<hbm>>
      tpu.enqueue_indirect_dma source(%dma_start3A_210 : memref<10000x128xf32, #tpu.memory_space<hbm>>) target(%arg10 : memref<128x128xf32, #tpu.memory_space<vmem>>) offsets(%dma_start3A_207 : memref<128xi32, #tpu.memory_space<vmem>>) semaphore(%arg12 : memref<!tpu.dma_semaphore, #tpu.memory_space<semaphore_mem>>)
      %dma_wait3A_211 = arith.constant 7 : i32
      %dma_wait3A_212 = arith.constant 0 : i32
      %dma_wait3A_213 = tpu.memref_slice %arg7[%dma_wait3A_211, %dma_wait3A_212] : memref<8x128xi32, #tpu.memory_space<vmem>> -> memref<1x128xi32, #tpu.memory_space<vmem>>
      %dma_wait3A_214 = tpu.memref_squeeze %dma_wait3A_213 : memref<1x128xi32, #tpu.memory_space<vmem>> -> memref<128xi32, #tpu.memory_space<vmem>>
      %dma_wait3A_215 = arith.constant 0 : i32
      %dma_wait3A_216 = arith.constant 0 : i32
      %dma_wait3A_217 = tpu.memref_slice %arg2[%dma_wait3A_215, %dma_wait3A_216] : memref<10000x128xf32, #tpu.memory_space<hbm>> -> memref<10000x128xf32, #tpu.memory_space<hbm>>
      tpu.wait_indirect_dma semaphore(%arg12 : memref<!tpu.dma_semaphore, #tpu.memory_space<semaphore_mem>>) src(%dma_wait3A_217 : memref<10000x128xf32, #tpu.memory_space<hbm>>) dst(%arg10 : memref<128x128xf32, #tpu.memory_space<vmem>>)
      %dma_start3A_218 = arith.constant 7 : i32
      %dma_start3A_219 = arith.constant 0 : i32
      %dma_start3A_220 = tpu.memref_slice %arg8[%dma_start3A_218, %dma_start3A_219] : memref<8x128xi32, #tpu.memory_space<vmem>> -> memref<1x128xi32, #tpu.memory_space<vmem>>
      %dma_start3A_221 = tpu.memref_squeeze %dma_start3A_220 : memref<1x128xi32, #tpu.memory_space<vmem>> -> memref<128xi32, #tpu.memory_space<vmem>>
      %dma_start3A_222 = arith.constant 0 : i32
      %dma_start3A_223 = arith.constant 0 : i32
      %dma_start3A_224 = tpu.memref_slice %arg15[%dma_start3A_222, %dma_start3A_223] : memref<10112x128xf32, #tpu.memory_space<vmem_shared>> -> memref<10112x128xf32, #tpu.memory_space<vmem_shared>>
      tpu.enqueue_indirect_dma source(%arg10 : memref<128x128xf32, #tpu.memory_space<vmem>>) target(%dma_start3A_224 : memref<10112x128xf32, #tpu.memory_space<vmem_shared>>) offsets(%dma_start3A_221 : memref<128xi32, #tpu.memory_space<vmem>>) semaphore(%arg14 : memref<!tpu.dma_semaphore, #tpu.memory_space<semaphore_mem>>) {add = true}
      %dma_wait3A_225 = arith.constant 6 : i32
      %dma_wait3A_226 = arith.constant 0 : i32
      %dma_wait3A_227 = tpu.memref_slice %arg8[%dma_wait3A_225, %dma_wait3A_226] : memref<8x128xi32, #tpu.memory_space<vmem>> -> memref<1x128xi32, #tpu.memory_space<vmem>>
      %dma_wait3A_228 = tpu.memref_squeeze %dma_wait3A_227 : memref<1x128xi32, #tpu.memory_space<vmem>> -> memref<128xi32, #tpu.memory_space<vmem>>
      %dma_wait3A_229 = arith.constant 0 : i32
      %dma_wait3A_230 = arith.constant 0 : i32
      %dma_wait3A_231 = tpu.memref_slice %arg15[%dma_wait3A_229, %dma_wait3A_230] : memref<10112x128xf32, #tpu.memory_space<vmem_shared>> -> memref<10112x128xf32, #tpu.memory_space<vmem_shared>>
      tpu.wait_indirect_dma semaphore(%arg13 : memref<!tpu.dma_semaphore, #tpu.memory_space<semaphore_mem>>) src(%arg9 : memref<128x128xf32, #tpu.memory_space<vmem>>) dst(%dma_wait3A_231 : memref<10112x128xf32, #tpu.memory_space<vmem_shared>>)
      %dma_wait3A_232 = arith.constant 7 : i32
      %dma_wait3A_233 = arith.constant 0 : i32
      %dma_wait3A_234 = tpu.memref_slice %arg8[%dma_wait3A_232, %dma_wait3A_233] : memref<8x128xi32, #tpu.memory_space<vmem>> -> memref<1x128xi32, #tpu.memory_space<vmem>>
      %dma_wait3A_235 = tpu.memref_squeeze %dma_wait3A_234 : memref<1x128xi32, #tpu.memory_space<vmem>> -> memref<128xi32, #tpu.memory_space<vmem>>
      %dma_wait3A_236 = arith.constant 0 : i32
      %dma_wait3A_237 = arith.constant 0 : i32
      %dma_wait3A_238 = tpu.memref_slice %arg15[%dma_wait3A_236, %dma_wait3A_237] : memref<10112x128xf32, #tpu.memory_space<vmem_shared>> -> memref<10112x128xf32, #tpu.memory_space<vmem_shared>>
      tpu.wait_indirect_dma semaphore(%arg14 : memref<!tpu.dma_semaphore, #tpu.memory_space<semaphore_mem>>) src(%arg10 : memref<128x128xf32, #tpu.memory_space<vmem>>) dst(%dma_wait3A_238 : memref<10112x128xf32, #tpu.memory_space<vmem_shared>>)
    }
    %scan3A_10 = arith.constant 10 : i32
    %barrier3A_11 = arith.constant 0 : index
    tpu.barrier barrier_id(%barrier3A_11)
    "tpu.region"() ({
      %run_scoped3A = tpu.sem_alloc : memref<!tpu.dma_semaphore, #tpu.memory_space<semaphore_mem>>
      %dma_start3A = arith.constant 0 : i32
      %dma_start3A_12 = tpu.memref_slice %arg6[%arg0, %multiple_of3A, %dma_start3A] : memref<2x10112x128xf32, #tpu.memory_space<hbm>> -> memref<1x632x128xf32, #tpu.memory_space<hbm>>
      %dma_start3A_13 = tpu.memref_squeeze %dma_start3A_12 : memref<1x632x128xf32, #tpu.memory_space<hbm>> -> memref<632x128xf32, #tpu.memory_space<hbm>>
      %dma_start3A_14 = arith.constant 0 : i32
      %dma_start3A_15 = tpu.memref_slice %arg15[%multiple_of3A, %dma_start3A_14] : memref<10112x128xf32, #tpu.memory_space<vmem_shared>> -> memref<632x128xf32, #tpu.memory_space<vmem_shared>>
      tpu.enqueue_dma source(%dma_start3A_15 : memref<632x128xf32, #tpu.memory_space<vmem_shared>>) target(%dma_start3A_13 : memref<632x128xf32, #tpu.memory_space<hbm>>) target_semaphore(%run_scoped3A : memref<!tpu.dma_semaphore, #tpu.memory_space<semaphore_mem>>)
      %dma_wait3A = arith.constant 0 : i32
      %dma_wait3A_16 = tpu.memref_slice %arg6[%arg0, %multiple_of3A, %dma_wait3A] : memref<2x10112x128xf32, #tpu.memory_space<hbm>> -> memref<1x632x128xf32, #tpu.memory_space<hbm>>
      %dma_wait3A_17 = tpu.memref_squeeze %dma_wait3A_16 : memref<1x632x128xf32, #tpu.memory_space<hbm>> -> memref<632x128xf32, #tpu.memory_space<hbm>>
      %dma_wait3A_18 = arith.constant 0 : i32
      %dma_wait3A_19 = tpu.memref_slice %arg15[%multiple_of3A, %dma_wait3A_18] : memref<10112x128xf32, #tpu.memory_space<vmem_shared>> -> memref<632x128xf32, #tpu.memory_space<vmem_shared>>
      tpu.wait_dma2 semaphore(%run_scoped3A : memref<!tpu.dma_semaphore, #tpu.memory_space<semaphore_mem>>) src(%dma_wait3A_19 : memref<632x128xf32, #tpu.memory_space<vmem_shared>>) dst(%dma_wait3A_17 : memref<632x128xf32, #tpu.memory_space<hbm>>)
      tpu.yield
    }) : () -> ()
    return
  }
}

#map = affine_map<(d0, d1) -> (0, 0)>
#map1 = affine_map<(d0, d1) -> (0, 0, 0)>
module attributes {stable_mosaic.version = 14 : i64} {
  func.func @body(%arg0: i32, %arg1: i32, %arg2: memref<10000x128xf32, #tpu.memory_space<hbm>>, %arg3: memref<2560x128xi32, #tpu.memory_space<hbm>>, %arg4: memref<2560x128xi32, #tpu.memory_space<hbm>>, %arg5: memref<10112x128xf32, #tpu.memory_space<hbm>>, %arg6: memref<2x10112x128xf32, #tpu.memory_space<hbm>>, %arg7: memref<2x16x10240xf32, #tpu.memory_space<hbm>>, %arg8: memref<8x128xi32, #tpu.memory_space<vmem>>, %arg9: memref<8x128xi32, #tpu.memory_space<vmem>>, %arg10: memref<128x128xf32, #tpu.memory_space<vmem>>, %arg11: memref<128x128xf32, #tpu.memory_space<vmem>>, %arg12: memref<!tpu.dma_semaphore, #tpu.memory_space<semaphore_mem>>, %arg13: memref<!tpu.dma_semaphore, #tpu.memory_space<semaphore_mem>>, %arg14: memref<!tpu.dma_semaphore, #tpu.memory_space<semaphore_mem>>, %arg15: memref<!tpu.dma_semaphore, #tpu.memory_space<semaphore_mem>>, %arg16: memref<10112x128xf32, #tpu.memory_space<vmem_shared>>, %arg17: memref<10240xf32, #tpu.memory_space<vmem>>) attributes {dimension_semantics = [#tpu.dimension_semantics<core_parallel>, #tpu.dimension_semantics<subcore_parallel>], iteration_bounds = array<i64: 2, 16>, scalar_prefetch = 0 : i64, scratch_operands = 10 : i64, tpu.core_type = #tpu.core_type<sc_vector_subcore>, window_params = [{transform_indices = #map}, {transform_indices = #map}, {transform_indices = #map}, {transform_indices = #map}, {transform_indices = #map1}, {transform_indices = #map1}]} {
    %mul3A = arith.constant 2 : i32
    %mul3A_0 = arith.muli %arg1, %mul3A : i32
    %add3A = arith.addi %mul3A_0, %arg0 : i32
    %mul3A_1 = arith.constant 632 : i32
    %mul3A_2 = arith.muli %arg1, %mul3A_1 : i32
    %multiple_of3A = tpu.assume_multiple %mul3A_2, 8 : i32
    "tpu.region"() ({
      %run_scoped3A = tpu.sem_alloc : memref<!tpu.dma_semaphore, #tpu.memory_space<semaphore_mem>>
      %dma_start3A = arith.constant 0 : i32
      %dma_start3A_20 = tpu.memref_slice %arg16[%multiple_of3A, %dma_start3A] : memref<10112x128xf32, #tpu.memory_space<vmem_shared>> -> memref<632x128xf32, #tpu.memory_space<vmem_shared>>
      %dma_start3A_21 = arith.constant 0 : i32
      %dma_start3A_22 = tpu.memref_slice %arg5[%multiple_of3A, %dma_start3A_21] : memref<10112x128xf32, #tpu.memory_space<hbm>> -> memref<632x128xf32, #tpu.memory_space<hbm>>
      tpu.enqueue_dma source(%dma_start3A_22 : memref<632x128xf32, #tpu.memory_space<hbm>>) target(%dma_start3A_20 : memref<632x128xf32, #tpu.memory_space<vmem_shared>>) target_semaphore(%run_scoped3A : memref<!tpu.dma_semaphore, #tpu.memory_space<semaphore_mem>>)
      %dma_wait3A = arith.constant 0 : i32
      %dma_wait3A_23 = tpu.memref_slice %arg16[%multiple_of3A, %dma_wait3A] : memref<10112x128xf32, #tpu.memory_space<vmem_shared>> -> memref<632x128xf32, #tpu.memory_space<vmem_shared>>
      %dma_wait3A_24 = arith.constant 0 : i32
      %dma_wait3A_25 = tpu.memref_slice %arg5[%multiple_of3A, %dma_wait3A_24] : memref<10112x128xf32, #tpu.memory_space<hbm>> -> memref<632x128xf32, #tpu.memory_space<hbm>>
      tpu.wait_dma2 semaphore(%run_scoped3A : memref<!tpu.dma_semaphore, #tpu.memory_space<semaphore_mem>>) src(%dma_wait3A_25 : memref<632x128xf32, #tpu.memory_space<hbm>>) dst(%dma_wait3A_23 : memref<632x128xf32, #tpu.memory_space<vmem_shared>>)
      tpu.yield
    }) : () -> ()
    %broadcast_in_dim3A = arith.constant 0.000000e+00 : f32
    %broadcast_in_dim3A_3 = vector.broadcast %broadcast_in_dim3A : f32 to vector<16xf32>
    %scan3A = arith.constant 0 : i32
    %scan3A_4 = arith.constant 0 : i32
    %scan3A_5 = arith.constant 640 : i32
    %scan3A_6 = arith.addi %scan3A_4, %scan3A_5 : i32
    %scan3A_7 = arith.constant 1 : i32
    scf.for %scan3A_20 = %scan3A_4 to %scan3A_6 step %scan3A_7  : i32 {
      %mul3A_21 = arith.constant 16 : i32
      %mul3A_22 = arith.muli %scan3A_20, %mul3A_21 : i32
      %swap3A = arith.index_cast %mul3A_22 : i32 to index
      %swap3A_23 = tpu.vector_load %arg17[%swap3A] {strides = array<i32>} : memref<10240xf32, #tpu.memory_space<vmem>>, vector<16xf32>,
      tpu.vector_store %arg17[%swap3A], %broadcast_in_dim3A_3 {strides = array<i32>} : memref<10240xf32, #tpu.memory_space<vmem>>, vector<16xf32>,
    }
    %scan3A_8 = arith.constant 640 : i32
    %barrier3A = arith.constant 0 : index
    tpu.barrier barrier_id(%barrier3A)
    %mul3A_9 = arith.constant 80 : i32
    %mul3A_10 = arith.muli %add3A, %mul3A_9 : i32
    %broadcast_in_dim3A_11 = arith.constant 1.000000e+00 : f32
    %broadcast_in_dim3A_12 = vector.broadcast %broadcast_in_dim3A_11 : f32 to vector<16xf32>
    %scan3A_13 = arith.constant 0 : i32
    %scan3A_14 = arith.constant 0 : i32
    %scan3A_15 = arith.constant 10 : i32
    %scan3A_16 = arith.addi %scan3A_14, %scan3A_15 : i32
    %scan3A_17 = arith.constant 1 : i32
    scf.for %scan3A_20 = %scan3A_14 to %scan3A_16 step %scan3A_17  : i32 {
      %mul3A_21 = arith.constant 8 : i32
      %mul3A_22 = arith.muli %scan3A_20, %mul3A_21 : i32
      %add3A_23 = arith.addi %mul3A_10, %mul3A_22 : i32
      %multiple_of3A_24 = tpu.assume_multiple %add3A_23, 8 : i32
      "tpu.region"() ({
        %run_scoped3A = tpu.sem_alloc : memref<!tpu.dma_semaphore, #tpu.memory_space<semaphore_mem>>
        %dma_start3A_502 = arith.constant 0 : i32
        %dma_start3A_503 = tpu.memref_slice %arg3[%multiple_of3A_24, %dma_start3A_502] : memref<2560x128xi32, #tpu.memory_space<hbm>> -> memref<8x128xi32, #tpu.memory_space<hbm>>
        %dma_start3A_504 = arith.constant 0 : i32
        %dma_start3A_505 = tpu.memref_slice %arg3[%multiple_of3A_24, %dma_start3A_504] : memref<2560x128xi32, #tpu.memory_space<hbm>> -> memref<8x128xi32, #tpu.memory_space<hbm>>
        tpu.enqueue_dma source(%dma_start3A_505 : memref<8x128xi32, #tpu.memory_space<hbm>>) target(%arg8 : memref<8x128xi32, #tpu.memory_space<vmem>>) target_semaphore(%run_scoped3A : memref<!tpu.dma_semaphore, #tpu.memory_space<semaphore_mem>>)
        %dma_wait3A_506 = arith.constant 0 : i32
        %dma_wait3A_507 = tpu.memref_slice %arg3[%multiple_of3A_24, %dma_wait3A_506] : memref<2560x128xi32, #tpu.memory_space<hbm>> -> memref<8x128xi32, #tpu.memory_space<hbm>>
        %dma_wait3A_508 = arith.constant 0 : i32
        %dma_wait3A_509 = tpu.memref_slice %arg3[%multiple_of3A_24, %dma_wait3A_508] : memref<2560x128xi32, #tpu.memory_space<hbm>> -> memref<8x128xi32, #tpu.memory_space<hbm>>
        tpu.wait_dma2 semaphore(%run_scoped3A : memref<!tpu.dma_semaphore, #tpu.memory_space<semaphore_mem>>) src(%dma_wait3A_509 : memref<8x128xi32, #tpu.memory_space<hbm>>) dst(%arg8 : memref<8x128xi32, #tpu.memory_space<vmem>>)
        tpu.yield
      }) : () -> ()
      "tpu.region"() ({
        %run_scoped3A = tpu.sem_alloc : memref<!tpu.dma_semaphore, #tpu.memory_space<semaphore_mem>>
        %dma_start3A_502 = arith.constant 0 : i32
        %dma_start3A_503 = tpu.memref_slice %arg4[%multiple_of3A_24, %dma_start3A_502] : memref<2560x128xi32, #tpu.memory_space<hbm>> -> memref<8x128xi32, #tpu.memory_space<hbm>>
        %dma_start3A_504 = arith.constant 0 : i32
        %dma_start3A_505 = tpu.memref_slice %arg4[%multiple_of3A_24, %dma_start3A_504] : memref<2560x128xi32, #tpu.memory_space<hbm>> -> memref<8x128xi32, #tpu.memory_space<hbm>>
        tpu.enqueue_dma source(%dma_start3A_505 : memref<8x128xi32, #tpu.memory_space<hbm>>) target(%arg9 : memref<8x128xi32, #tpu.memory_space<vmem>>) target_semaphore(%run_scoped3A : memref<!tpu.dma_semaphore, #tpu.memory_space<semaphore_mem>>)
        %dma_wait3A_506 = arith.constant 0 : i32
        %dma_wait3A_507 = tpu.memref_slice %arg4[%multiple_of3A_24, %dma_wait3A_506] : memref<2560x128xi32, #tpu.memory_space<hbm>> -> memref<8x128xi32, #tpu.memory_space<hbm>>
        %dma_wait3A_508 = arith.constant 0 : i32
        %dma_wait3A_509 = tpu.memref_slice %arg4[%multiple_of3A_24, %dma_wait3A_508] : memref<2560x128xi32, #tpu.memory_space<hbm>> -> memref<8x128xi32, #tpu.memory_space<hbm>>
        tpu.wait_dma2 semaphore(%run_scoped3A : memref<!tpu.dma_semaphore, #tpu.memory_space<semaphore_mem>>) src(%dma_wait3A_509 : memref<8x128xi32, #tpu.memory_space<hbm>>) dst(%arg9 : memref<8x128xi32, #tpu.memory_space<vmem>>)
        tpu.yield
      }) : () -> ()
      %dma_start3A = arith.constant 0 : i32
      %dma_start3A_25 = arith.constant 0 : i32
      %dma_start3A_26 = tpu.memref_slice %arg8[%dma_start3A, %dma_start3A_25] : memref<8x128xi32, #tpu.memory_space<vmem>> -> memref<1x128xi32, #tpu.memory_space<vmem>>
      %dma_start3A_27 = tpu.memref_squeeze %dma_start3A_26 : memref<1x128xi32, #tpu.memory_space<vmem>> -> memref<128xi32, #tpu.memory_space<vmem>>
      %dma_start3A_28 = arith.constant 0 : i32
      %dma_start3A_29 = arith.constant 0 : i32
      %dma_start3A_30 = tpu.memref_slice %arg2[%dma_start3A_28, %dma_start3A_29] : memref<10000x128xf32, #tpu.memory_space<hbm>> -> memref<10000x128xf32, #tpu.memory_space<hbm>>
      tpu.enqueue_indirect_dma source(%dma_start3A_30 : memref<10000x128xf32, #tpu.memory_space<hbm>>) target(%arg10 : memref<128x128xf32, #tpu.memory_space<vmem>>) offsets(%dma_start3A_27 : memref<128xi32, #tpu.memory_space<vmem>>) semaphore(%arg12 : memref<!tpu.dma_semaphore, #tpu.memory_space<semaphore_mem>>)
      %get3A = arith.constant 0 : i32
      %get3A_31 = arith.index_cast %get3A : i32 to index
      %get3A_32 = arith.constant 0 : index
      %get3A_33 = tpu.vector_load %arg9[%get3A_31, %get3A_32] {strides = array<i32>} : memref<8x128xi32, #tpu.memory_space<vmem>>, vector<16xi32>,
      tpu.vector_store_idx %arg17[%get3A_33], %broadcast_in_dim3A_12 {add = true} : memref<10240xf32, #tpu.memory_space<vmem>>[vector<16xi32>], vector<16xf32>,
      %get3A_34 = arith.constant 0 : i32
      %get3A_35 = arith.index_cast %get3A_34 : i32 to index
      %get3A_36 = arith.constant 16 : index
      %get3A_37 = tpu.vector_load %arg9[%get3A_35, %get3A_36] {strides = array<i32>} : memref<8x128xi32, #tpu.memory_space<vmem>>, vector<16xi32>,
      tpu.vector_store_idx %arg17[%get3A_37], %broadcast_in_dim3A_12 {add = true} : memref<10240xf32, #tpu.memory_space<vmem>>[vector<16xi32>], vector<16xf32>,
      %get3A_38 = arith.constant 0 : i32
      %get3A_39 = arith.index_cast %get3A_38 : i32 to index
      %get3A_40 = arith.constant 32 : index
      %get3A_41 = tpu.vector_load %arg9[%get3A_39, %get3A_40] {strides = array<i32>} : memref<8x128xi32, #tpu.memory_space<vmem>>, vector<16xi32>,
      tpu.vector_store_idx %arg17[%get3A_41], %broadcast_in_dim3A_12 {add = true} : memref<10240xf32, #tpu.memory_space<vmem>>[vector<16xi32>], vector<16xf32>,
      %get3A_42 = arith.constant 0 : i32
      %get3A_43 = arith.index_cast %get3A_42 : i32 to index
      %get3A_44 = arith.constant 48 : index
      %get3A_45 = tpu.vector_load %arg9[%get3A_43, %get3A_44] {strides = array<i32>} : memref<8x128xi32, #tpu.memory_space<vmem>>, vector<16xi32>,
      tpu.vector_store_idx %arg17[%get3A_45], %broadcast_in_dim3A_12 {add = true} : memref<10240xf32, #tpu.memory_space<vmem>>[vector<16xi32>], vector<16xf32>,
      %get3A_46 = arith.constant 0 : i32
      %get3A_47 = arith.index_cast %get3A_46 : i32 to index
      %get3A_48 = arith.constant 64 : index
      %get3A_49 = tpu.vector_load %arg9[%get3A_47, %get3A_48] {strides = array<i32>} : memref<8x128xi32, #tpu.memory_space<vmem>>, vector<16xi32>,
      tpu.vector_store_idx %arg17[%get3A_49], %broadcast_in_dim3A_12 {add = true} : memref<10240xf32, #tpu.memory_space<vmem>>[vector<16xi32>], vector<16xf32>,
      %get3A_50 = arith.constant 0 : i32
      %get3A_51 = arith.index_cast %get3A_50 : i32 to index
      %get3A_52 = arith.constant 80 : index
      %get3A_53 = tpu.vector_load %arg9[%get3A_51, %get3A_52] {strides = array<i32>} : memref<8x128xi32, #tpu.memory_space<vmem>>, vector<16xi32>,
      tpu.vector_store_idx %arg17[%get3A_53], %broadcast_in_dim3A_12 {add = true} : memref<10240xf32, #tpu.memory_space<vmem>>[vector<16xi32>], vector<16xf32>,
      %get3A_54 = arith.constant 0 : i32
      %get3A_55 = arith.index_cast %get3A_54 : i32 to index
      %get3A_56 = arith.constant 96 : index
      %get3A_57 = tpu.vector_load %arg9[%get3A_55, %get3A_56] {strides = array<i32>} : memref<8x128xi32, #tpu.memory_space<vmem>>, vector<16xi32>,
      tpu.vector_store_idx %arg17[%get3A_57], %broadcast_in_dim3A_12 {add = true} : memref<10240xf32, #tpu.memory_space<vmem>>[vector<16xi32>], vector<16xf32>,
      %get3A_58 = arith.constant 0 : i32
      %get3A_59 = arith.index_cast %get3A_58 : i32 to index
      %get3A_60 = arith.constant 112 : index
      %get3A_61 = tpu.vector_load %arg9[%get3A_59, %get3A_60] {strides = array<i32>} : memref<8x128xi32, #tpu.memory_space<vmem>>, vector<16xi32>,
      tpu.vector_store_idx %arg17[%get3A_61], %broadcast_in_dim3A_12 {add = true} : memref<10240xf32, #tpu.memory_space<vmem>>[vector<16xi32>], vector<16xf32>,
      %dma_wait3A = arith.constant 0 : i32
      %dma_wait3A_62 = arith.constant 0 : i32
      %dma_wait3A_63 = tpu.memref_slice %arg8[%dma_wait3A, %dma_wait3A_62] : memref<8x128xi32, #tpu.memory_space<vmem>> -> memref<1x128xi32, #tpu.memory_space<vmem>>
      %dma_wait3A_64 = tpu.memref_squeeze %dma_wait3A_63 : memref<1x128xi32, #tpu.memory_space<vmem>> -> memref<128xi32, #tpu.memory_space<vmem>>
      %dma_wait3A_65 = arith.constant 0 : i32
      %dma_wait3A_66 = arith.constant 0 : i32
      %dma_wait3A_67 = tpu.memref_slice %arg2[%dma_wait3A_65, %dma_wait3A_66] : memref<10000x128xf32, #tpu.memory_space<hbm>> -> memref<10000x128xf32, #tpu.memory_space<hbm>>
      tpu.wait_indirect_dma semaphore(%arg12 : memref<!tpu.dma_semaphore, #tpu.memory_space<semaphore_mem>>) src(%dma_wait3A_67 : memref<10000x128xf32, #tpu.memory_space<hbm>>) dst(%arg10 : memref<128x128xf32, #tpu.memory_space<vmem>>)
      %dma_start3A_68 = arith.constant 0 : i32
      %dma_start3A_69 = arith.constant 0 : i32
      %dma_start3A_70 = tpu.memref_slice %arg9[%dma_start3A_68, %dma_start3A_69] : memref<8x128xi32, #tpu.memory_space<vmem>> -> memref<1x128xi32, #tpu.memory_space<vmem>>
      %dma_start3A_71 = tpu.memref_squeeze %dma_start3A_70 : memref<1x128xi32, #tpu.memory_space<vmem>> -> memref<128xi32, #tpu.memory_space<vmem>>
      %dma_start3A_72 = arith.constant 0 : i32
      %dma_start3A_73 = arith.constant 0 : i32
      %dma_start3A_74 = tpu.memref_slice %arg16[%dma_start3A_72, %dma_start3A_73] : memref<10112x128xf32, #tpu.memory_space<vmem_shared>> -> memref<10112x128xf32, #tpu.memory_space<vmem_shared>>
      tpu.enqueue_indirect_dma source(%arg10 : memref<128x128xf32, #tpu.memory_space<vmem>>) target(%dma_start3A_74 : memref<10112x128xf32, #tpu.memory_space<vmem_shared>>) offsets(%dma_start3A_71 : memref<128xi32, #tpu.memory_space<vmem>>) semaphore(%arg14 : memref<!tpu.dma_semaphore, #tpu.memory_space<semaphore_mem>>) {add = true}
      %dma_start3A_75 = arith.constant 1 : i32
      %dma_start3A_76 = arith.constant 0 : i32
      %dma_start3A_77 = tpu.memref_slice %arg8[%dma_start3A_75, %dma_start3A_76] : memref<8x128xi32, #tpu.memory_space<vmem>> -> memref<1x128xi32, #tpu.memory_space<vmem>>
      %dma_start3A_78 = tpu.memref_squeeze %dma_start3A_77 : memref<1x128xi32, #tpu.memory_space<vmem>> -> memref<128xi32, #tpu.memory_space<vmem>>
      %dma_start3A_79 = arith.constant 0 : i32
      %dma_start3A_80 = arith.constant 0 : i32
      %dma_start3A_81 = tpu.memref_slice %arg2[%dma_start3A_79, %dma_start3A_80] : memref<10000x128xf32, #tpu.memory_space<hbm>> -> memref<10000x128xf32, #tpu.memory_space<hbm>>
      tpu.enqueue_indirect_dma source(%dma_start3A_81 : memref<10000x128xf32, #tpu.memory_space<hbm>>) target(%arg11 : memref<128x128xf32, #tpu.memory_space<vmem>>) offsets(%dma_start3A_78 : memref<128xi32, #tpu.memory_space<vmem>>) semaphore(%arg13 : memref<!tpu.dma_semaphore, #tpu.memory_space<semaphore_mem>>)
      %get3A_82 = arith.constant 1 : i32
      %get3A_83 = arith.index_cast %get3A_82 : i32 to index
      %get3A_84 = arith.constant 0 : index
      %get3A_85 = tpu.vector_load %arg9[%get3A_83, %get3A_84] {strides = array<i32>} : memref<8x128xi32, #tpu.memory_space<vmem>>, vector<16xi32>,
      tpu.vector_store_idx %arg17[%get3A_85], %broadcast_in_dim3A_12 {add = true} : memref<10240xf32, #tpu.memory_space<vmem>>[vector<16xi32>], vector<16xf32>,
      %get3A_86 = arith.constant 1 : i32
      %get3A_87 = arith.index_cast %get3A_86 : i32 to index
      %get3A_88 = arith.constant 16 : index
      %get3A_89 = tpu.vector_load %arg9[%get3A_87, %get3A_88] {strides = array<i32>} : memref<8x128xi32, #tpu.memory_space<vmem>>, vector<16xi32>,
      tpu.vector_store_idx %arg17[%get3A_89], %broadcast_in_dim3A_12 {add = true} : memref<10240xf32, #tpu.memory_space<vmem>>[vector<16xi32>], vector<16xf32>,
      %get3A_90 = arith.constant 1 : i32
      %get3A_91 = arith.index_cast %get3A_90 : i32 to index
      %get3A_92 = arith.constant 32 : index
      %get3A_93 = tpu.vector_load %arg9[%get3A_91, %get3A_92] {strides = array<i32>} : memref<8x128xi32, #tpu.memory_space<vmem>>, vector<16xi32>,
      tpu.vector_store_idx %arg17[%get3A_93], %broadcast_in_dim3A_12 {add = true} : memref<10240xf32, #tpu.memory_space<vmem>>[vector<16xi32>], vector<16xf32>,
      %get3A_94 = arith.constant 1 : i32
      %get3A_95 = arith.index_cast %get3A_94 : i32 to index
      %get3A_96 = arith.constant 48 : index
      %get3A_97 = tpu.vector_load %arg9[%get3A_95, %get3A_96] {strides = array<i32>} : memref<8x128xi32, #tpu.memory_space<vmem>>, vector<16xi32>,
      tpu.vector_store_idx %arg17[%get3A_97], %broadcast_in_dim3A_12 {add = true} : memref<10240xf32, #tpu.memory_space<vmem>>[vector<16xi32>], vector<16xf32>,
      %get3A_98 = arith.constant 1 : i32
      %get3A_99 = arith.index_cast %get3A_98 : i32 to index
      %get3A_100 = arith.constant 64 : index
      %get3A_101 = tpu.vector_load %arg9[%get3A_99, %get3A_100] {strides = array<i32>} : memref<8x128xi32, #tpu.memory_space<vmem>>, vector<16xi32>,
      tpu.vector_store_idx %arg17[%get3A_101], %broadcast_in_dim3A_12 {add = true} : memref<10240xf32, #tpu.memory_space<vmem>>[vector<16xi32>], vector<16xf32>,
      %get3A_102 = arith.constant 1 : i32
      %get3A_103 = arith.index_cast %get3A_102 : i32 to index
      %get3A_104 = arith.constant 80 : index
      %get3A_105 = tpu.vector_load %arg9[%get3A_103, %get3A_104] {strides = array<i32>} : memref<8x128xi32, #tpu.memory_space<vmem>>, vector<16xi32>,
      tpu.vector_store_idx %arg17[%get3A_105], %broadcast_in_dim3A_12 {add = true} : memref<10240xf32, #tpu.memory_space<vmem>>[vector<16xi32>], vector<16xf32>,
      %get3A_106 = arith.constant 1 : i32
      %get3A_107 = arith.index_cast %get3A_106 : i32 to index
      %get3A_108 = arith.constant 96 : index
      %get3A_109 = tpu.vector_load %arg9[%get3A_107, %get3A_108] {strides = array<i32>} : memref<8x128xi32, #tpu.memory_space<vmem>>, vector<16xi32>,
      tpu.vector_store_idx %arg17[%get3A_109], %broadcast_in_dim3A_12 {add = true} : memref<10240xf32, #tpu.memory_space<vmem>>[vector<16xi32>], vector<16xf32>,
      %get3A_110 = arith.constant 1 : i32
      %get3A_111 = arith.index_cast %get3A_110 : i32 to index
      %get3A_112 = arith.constant 112 : index
      %get3A_113 = tpu.vector_load %arg9[%get3A_111, %get3A_112] {strides = array<i32>} : memref<8x128xi32, #tpu.memory_space<vmem>>, vector<16xi32>,
      tpu.vector_store_idx %arg17[%get3A_113], %broadcast_in_dim3A_12 {add = true} : memref<10240xf32, #tpu.memory_space<vmem>>[vector<16xi32>], vector<16xf32>,
      %dma_wait3A_114 = arith.constant 1 : i32
      %dma_wait3A_115 = arith.constant 0 : i32
      %dma_wait3A_116 = tpu.memref_slice %arg8[%dma_wait3A_114, %dma_wait3A_115] : memref<8x128xi32, #tpu.memory_space<vmem>> -> memref<1x128xi32, #tpu.memory_space<vmem>>
      %dma_wait3A_117 = tpu.memref_squeeze %dma_wait3A_116 : memref<1x128xi32, #tpu.memory_space<vmem>> -> memref<128xi32, #tpu.memory_space<vmem>>
      %dma_wait3A_118 = arith.constant 0 : i32
      %dma_wait3A_119 = arith.constant 0 : i32
      %dma_wait3A_120 = tpu.memref_slice %arg2[%dma_wait3A_118, %dma_wait3A_119] : memref<10000x128xf32, #tpu.memory_space<hbm>> -> memref<10000x128xf32, #tpu.memory_space<hbm>>
      tpu.wait_indirect_dma semaphore(%arg13 : memref<!tpu.dma_semaphore, #tpu.memory_space<semaphore_mem>>) src(%dma_wait3A_120 : memref<10000x128xf32, #tpu.memory_space<hbm>>) dst(%arg11 : memref<128x128xf32, #tpu.memory_space<vmem>>)
      %dma_start3A_121 = arith.constant 1 : i32
      %dma_start3A_122 = arith.constant 0 : i32
      %dma_start3A_123 = tpu.memref_slice %arg9[%dma_start3A_121, %dma_start3A_122] : memref<8x128xi32, #tpu.memory_space<vmem>> -> memref<1x128xi32, #tpu.memory_space<vmem>>
      %dma_start3A_124 = tpu.memref_squeeze %dma_start3A_123 : memref<1x128xi32, #tpu.memory_space<vmem>> -> memref<128xi32, #tpu.memory_space<vmem>>
      %dma_start3A_125 = arith.constant 0 : i32
      %dma_start3A_126 = arith.constant 0 : i32
      %dma_start3A_127 = tpu.memref_slice %arg16[%dma_start3A_125, %dma_start3A_126] : memref<10112x128xf32, #tpu.memory_space<vmem_shared>> -> memref<10112x128xf32, #tpu.memory_space<vmem_shared>>
      tpu.enqueue_indirect_dma source(%arg11 : memref<128x128xf32, #tpu.memory_space<vmem>>) target(%dma_start3A_127 : memref<10112x128xf32, #tpu.memory_space<vmem_shared>>) offsets(%dma_start3A_124 : memref<128xi32, #tpu.memory_space<vmem>>) semaphore(%arg15 : memref<!tpu.dma_semaphore, #tpu.memory_space<semaphore_mem>>) {add = true}
      %dma_wait3A_128 = arith.constant 0 : i32
      %dma_wait3A_129 = arith.constant 0 : i32
      %dma_wait3A_130 = tpu.memref_slice %arg9[%dma_wait3A_128, %dma_wait3A_129] : memref<8x128xi32, #tpu.memory_space<vmem>> -> memref<1x128xi32, #tpu.memory_space<vmem>>
      %dma_wait3A_131 = tpu.memref_squeeze %dma_wait3A_130 : memref<1x128xi32, #tpu.memory_space<vmem>> -> memref<128xi32, #tpu.memory_space<vmem>>
      %dma_wait3A_132 = arith.constant 0 : i32
      %dma_wait3A_133 = arith.constant 0 : i32
      %dma_wait3A_134 = tpu.memref_slice %arg16[%dma_wait3A_132, %dma_wait3A_133] : memref<10112x128xf32, #tpu.memory_space<vmem_shared>> -> memref<10112x128xf32, #tpu.memory_space<vmem_shared>>
      tpu.wait_indirect_dma semaphore(%arg14 : memref<!tpu.dma_semaphore, #tpu.memory_space<semaphore_mem>>) src(%arg10 : memref<128x128xf32, #tpu.memory_space<vmem>>) dst(%dma_wait3A_134 : memref<10112x128xf32, #tpu.memory_space<vmem_shared>>)
      %dma_start3A_135 = arith.constant 2 : i32
      %dma_start3A_136 = arith.constant 0 : i32
      %dma_start3A_137 = tpu.memref_slice %arg8[%dma_start3A_135, %dma_start3A_136] : memref<8x128xi32, #tpu.memory_space<vmem>> -> memref<1x128xi32, #tpu.memory_space<vmem>>
      %dma_start3A_138 = tpu.memref_squeeze %dma_start3A_137 : memref<1x128xi32, #tpu.memory_space<vmem>> -> memref<128xi32, #tpu.memory_space<vmem>>
      %dma_start3A_139 = arith.constant 0 : i32
      %dma_start3A_140 = arith.constant 0 : i32
      %dma_start3A_141 = tpu.memref_slice %arg2[%dma_start3A_139, %dma_start3A_140] : memref<10000x128xf32, #tpu.memory_space<hbm>> -> memref<10000x128xf32, #tpu.memory_space<hbm>>
      tpu.enqueue_indirect_dma source(%dma_start3A_141 : memref<10000x128xf32, #tpu.memory_space<hbm>>) target(%arg10 : memref<128x128xf32, #tpu.memory_space<vmem>>) offsets(%dma_start3A_138 : memref<128xi32, #tpu.memory_space<vmem>>) semaphore(%arg12 : memref<!tpu.dma_semaphore, #tpu.memory_space<semaphore_mem>>)
      %get3A_142 = arith.constant 2 : i32
      %get3A_143 = arith.index_cast %get3A_142 : i32 to index
      %get3A_144 = arith.constant 0 : index
      %get3A_145 = tpu.vector_load %arg9[%get3A_143, %get3A_144] {strides = array<i32>} : memref<8x128xi32, #tpu.memory_space<vmem>>, vector<16xi32>,
      tpu.vector_store_idx %arg17[%get3A_145], %broadcast_in_dim3A_12 {add = true} : memref<10240xf32, #tpu.memory_space<vmem>>[vector<16xi32>], vector<16xf32>,
      %get3A_146 = arith.constant 2 : i32
      %get3A_147 = arith.index_cast %get3A_146 : i32 to index
      %get3A_148 = arith.constant 16 : index
      %get3A_149 = tpu.vector_load %arg9[%get3A_147, %get3A_148] {strides = array<i32>} : memref<8x128xi32, #tpu.memory_space<vmem>>, vector<16xi32>,
      tpu.vector_store_idx %arg17[%get3A_149], %broadcast_in_dim3A_12 {add = true} : memref<10240xf32, #tpu.memory_space<vmem>>[vector<16xi32>], vector<16xf32>,
      %get3A_150 = arith.constant 2 : i32
      %get3A_151 = arith.index_cast %get3A_150 : i32 to index
      %get3A_152 = arith.constant 32 : index
      %get3A_153 = tpu.vector_load %arg9[%get3A_151, %get3A_152] {strides = array<i32>} : memref<8x128xi32, #tpu.memory_space<vmem>>, vector<16xi32>,
      tpu.vector_store_idx %arg17[%get3A_153], %broadcast_in_dim3A_12 {add = true} : memref<10240xf32, #tpu.memory_space<vmem>>[vector<16xi32>], vector<16xf32>,
      %get3A_154 = arith.constant 2 : i32
      %get3A_155 = arith.index_cast %get3A_154 : i32 to index
      %get3A_156 = arith.constant 48 : index
      %get3A_157 = tpu.vector_load %arg9[%get3A_155, %get3A_156] {strides = array<i32>} : memref<8x128xi32, #tpu.memory_space<vmem>>, vector<16xi32>,
      tpu.vector_store_idx %arg17[%get3A_157], %broadcast_in_dim3A_12 {add = true} : memref<10240xf32, #tpu.memory_space<vmem>>[vector<16xi32>], vector<16xf32>,
      %get3A_158 = arith.constant 2 : i32
      %get3A_159 = arith.index_cast %get3A_158 : i32 to index
      %get3A_160 = arith.constant 64 : index
      %get3A_161 = tpu.vector_load %arg9[%get3A_159, %get3A_160] {strides = array<i32>} : memref<8x128xi32, #tpu.memory_space<vmem>>, vector<16xi32>,
      tpu.vector_store_idx %arg17[%get3A_161], %broadcast_in_dim3A_12 {add = true} : memref<10240xf32, #tpu.memory_space<vmem>>[vector<16xi32>], vector<16xf32>,
      %get3A_162 = arith.constant 2 : i32
      %get3A_163 = arith.index_cast %get3A_162 : i32 to index
      %get3A_164 = arith.constant 80 : index
      %get3A_165 = tpu.vector_load %arg9[%get3A_163, %get3A_164] {strides = array<i32>} : memref<8x128xi32, #tpu.memory_space<vmem>>, vector<16xi32>,
      tpu.vector_store_idx %arg17[%get3A_165], %broadcast_in_dim3A_12 {add = true} : memref<10240xf32, #tpu.memory_space<vmem>>[vector<16xi32>], vector<16xf32>,
      %get3A_166 = arith.constant 2 : i32
      %get3A_167 = arith.index_cast %get3A_166 : i32 to index
      %get3A_168 = arith.constant 96 : index
      %get3A_169 = tpu.vector_load %arg9[%get3A_167, %get3A_168] {strides = array<i32>} : memref<8x128xi32, #tpu.memory_space<vmem>>, vector<16xi32>,
      tpu.vector_store_idx %arg17[%get3A_169], %broadcast_in_dim3A_12 {add = true} : memref<10240xf32, #tpu.memory_space<vmem>>[vector<16xi32>], vector<16xf32>,
      %get3A_170 = arith.constant 2 : i32
      %get3A_171 = arith.index_cast %get3A_170 : i32 to index
      %get3A_172 = arith.constant 112 : index
      %get3A_173 = tpu.vector_load %arg9[%get3A_171, %get3A_172] {strides = array<i32>} : memref<8x128xi32, #tpu.memory_space<vmem>>, vector<16xi32>,
      tpu.vector_store_idx %arg17[%get3A_173], %broadcast_in_dim3A_12 {add = true} : memref<10240xf32, #tpu.memory_space<vmem>>[vector<16xi32>], vector<16xf32>,
      %dma_wait3A_174 = arith.constant 2 : i32
      %dma_wait3A_175 = arith.constant 0 : i32
      %dma_wait3A_176 = tpu.memref_slice %arg8[%dma_wait3A_174, %dma_wait3A_175] : memref<8x128xi32, #tpu.memory_space<vmem>> -> memref<1x128xi32, #tpu.memory_space<vmem>>
      %dma_wait3A_177 = tpu.memref_squeeze %dma_wait3A_176 : memref<1x128xi32, #tpu.memory_space<vmem>> -> memref<128xi32, #tpu.memory_space<vmem>>
      %dma_wait3A_178 = arith.constant 0 : i32
      %dma_wait3A_179 = arith.constant 0 : i32
      %dma_wait3A_180 = tpu.memref_slice %arg2[%dma_wait3A_178, %dma_wait3A_179] : memref<10000x128xf32, #tpu.memory_space<hbm>> -> memref<10000x128xf32, #tpu.memory_space<hbm>>
      tpu.wait_indirect_dma semaphore(%arg12 : memref<!tpu.dma_semaphore, #tpu.memory_space<semaphore_mem>>) src(%dma_wait3A_180 : memref<10000x128xf32, #tpu.memory_space<hbm>>) dst(%arg10 : memref<128x128xf32, #tpu.memory_space<vmem>>)
      %dma_start3A_181 = arith.constant 2 : i32
      %dma_start3A_182 = arith.constant 0 : i32
      %dma_start3A_183 = tpu.memref_slice %arg9[%dma_start3A_181, %dma_start3A_182] : memref<8x128xi32, #tpu.memory_space<vmem>> -> memref<1x128xi32, #tpu.memory_space<vmem>>
      %dma_start3A_184 = tpu.memref_squeeze %dma_start3A_183 : memref<1x128xi32, #tpu.memory_space<vmem>> -> memref<128xi32, #tpu.memory_space<vmem>>
      %dma_start3A_185 = arith.constant 0 : i32
      %dma_start3A_186 = arith.constant 0 : i32
      %dma_start3A_187 = tpu.memref_slice %arg16[%dma_start3A_185, %dma_start3A_186] : memref<10112x128xf32, #tpu.memory_space<vmem_shared>> -> memref<10112x128xf32, #tpu.memory_space<vmem_shared>>
      tpu.enqueue_indirect_dma source(%arg10 : memref<128x128xf32, #tpu.memory_space<vmem>>) target(%dma_start3A_187 : memref<10112x128xf32, #tpu.memory_space<vmem_shared>>) offsets(%dma_start3A_184 : memref<128xi32, #tpu.memory_space<vmem>>) semaphore(%arg14 : memref<!tpu.dma_semaphore, #tpu.memory_space<semaphore_mem>>) {add = true}
      %dma_wait3A_188 = arith.constant 1 : i32
      %dma_wait3A_189 = arith.constant 0 : i32
      %dma_wait3A_190 = tpu.memref_slice %arg9[%dma_wait3A_188, %dma_wait3A_189] : memref<8x128xi32, #tpu.memory_space<vmem>> -> memref<1x128xi32, #tpu.memory_space<vmem>>
      %dma_wait3A_191 = tpu.memref_squeeze %dma_wait3A_190 : memref<1x128xi32, #tpu.memory_space<vmem>> -> memref<128xi32, #tpu.memory_space<vmem>>
      %dma_wait3A_192 = arith.constant 0 : i32
      %dma_wait3A_193 = arith.constant 0 : i32
      %dma_wait3A_194 = tpu.memref_slice %arg16[%dma_wait3A_192, %dma_wait3A_193] : memref<10112x128xf32, #tpu.memory_space<vmem_shared>> -> memref<10112x128xf32, #tpu.memory_space<vmem_shared>>
      tpu.wait_indirect_dma semaphore(%arg15 : memref<!tpu.dma_semaphore, #tpu.memory_space<semaphore_mem>>) src(%arg11 : memref<128x128xf32, #tpu.memory_space<vmem>>) dst(%dma_wait3A_194 : memref<10112x128xf32, #tpu.memory_space<vmem_shared>>)
      %dma_start3A_195 = arith.constant 3 : i32
      %dma_start3A_196 = arith.constant 0 : i32
      %dma_start3A_197 = tpu.memref_slice %arg8[%dma_start3A_195, %dma_start3A_196] : memref<8x128xi32, #tpu.memory_space<vmem>> -> memref<1x128xi32, #tpu.memory_space<vmem>>
      %dma_start3A_198 = tpu.memref_squeeze %dma_start3A_197 : memref<1x128xi32, #tpu.memory_space<vmem>> -> memref<128xi32, #tpu.memory_space<vmem>>
      %dma_start3A_199 = arith.constant 0 : i32
      %dma_start3A_200 = arith.constant 0 : i32
      %dma_start3A_201 = tpu.memref_slice %arg2[%dma_start3A_199, %dma_start3A_200] : memref<10000x128xf32, #tpu.memory_space<hbm>> -> memref<10000x128xf32, #tpu.memory_space<hbm>>
      tpu.enqueue_indirect_dma source(%dma_start3A_201 : memref<10000x128xf32, #tpu.memory_space<hbm>>) target(%arg11 : memref<128x128xf32, #tpu.memory_space<vmem>>) offsets(%dma_start3A_198 : memref<128xi32, #tpu.memory_space<vmem>>) semaphore(%arg13 : memref<!tpu.dma_semaphore, #tpu.memory_space<semaphore_mem>>)
      %get3A_202 = arith.constant 3 : i32
      %get3A_203 = arith.index_cast %get3A_202 : i32 to index
      %get3A_204 = arith.constant 0 : index
      %get3A_205 = tpu.vector_load %arg9[%get3A_203, %get3A_204] {strides = array<i32>} : memref<8x128xi32, #tpu.memory_space<vmem>>, vector<16xi32>,
      tpu.vector_store_idx %arg17[%get3A_205], %broadcast_in_dim3A_12 {add = true} : memref<10240xf32, #tpu.memory_space<vmem>>[vector<16xi32>], vector<16xf32>,
      %get3A_206 = arith.constant 3 : i32
      %get3A_207 = arith.index_cast %get3A_206 : i32 to index
      %get3A_208 = arith.constant 16 : index
      %get3A_209 = tpu.vector_load %arg9[%get3A_207, %get3A_208] {strides = array<i32>} : memref<8x128xi32, #tpu.memory_space<vmem>>, vector<16xi32>,
      tpu.vector_store_idx %arg17[%get3A_209], %broadcast_in_dim3A_12 {add = true} : memref<10240xf32, #tpu.memory_space<vmem>>[vector<16xi32>], vector<16xf32>,
      %get3A_210 = arith.constant 3 : i32
      %get3A_211 = arith.index_cast %get3A_210 : i32 to index
      %get3A_212 = arith.constant 32 : index
      %get3A_213 = tpu.vector_load %arg9[%get3A_211, %get3A_212] {strides = array<i32>} : memref<8x128xi32, #tpu.memory_space<vmem>>, vector<16xi32>,
      tpu.vector_store_idx %arg17[%get3A_213], %broadcast_in_dim3A_12 {add = true} : memref<10240xf32, #tpu.memory_space<vmem>>[vector<16xi32>], vector<16xf32>,
      %get3A_214 = arith.constant 3 : i32
      %get3A_215 = arith.index_cast %get3A_214 : i32 to index
      %get3A_216 = arith.constant 48 : index
      %get3A_217 = tpu.vector_load %arg9[%get3A_215, %get3A_216] {strides = array<i32>} : memref<8x128xi32, #tpu.memory_space<vmem>>, vector<16xi32>,
      tpu.vector_store_idx %arg17[%get3A_217], %broadcast_in_dim3A_12 {add = true} : memref<10240xf32, #tpu.memory_space<vmem>>[vector<16xi32>], vector<16xf32>,
      %get3A_218 = arith.constant 3 : i32
      %get3A_219 = arith.index_cast %get3A_218 : i32 to index
      %get3A_220 = arith.constant 64 : index
      %get3A_221 = tpu.vector_load %arg9[%get3A_219, %get3A_220] {strides = array<i32>} : memref<8x128xi32, #tpu.memory_space<vmem>>, vector<16xi32>,
      tpu.vector_store_idx %arg17[%get3A_221], %broadcast_in_dim3A_12 {add = true} : memref<10240xf32, #tpu.memory_space<vmem>>[vector<16xi32>], vector<16xf32>,
      %get3A_222 = arith.constant 3 : i32
      %get3A_223 = arith.index_cast %get3A_222 : i32 to index
      %get3A_224 = arith.constant 80 : index
      %get3A_225 = tpu.vector_load %arg9[%get3A_223, %get3A_224] {strides = array<i32>} : memref<8x128xi32, #tpu.memory_space<vmem>>, vector<16xi32>,
      tpu.vector_store_idx %arg17[%get3A_225], %broadcast_in_dim3A_12 {add = true} : memref<10240xf32, #tpu.memory_space<vmem>>[vector<16xi32>], vector<16xf32>,
      %get3A_226 = arith.constant 3 : i32
      %get3A_227 = arith.index_cast %get3A_226 : i32 to index
      %get3A_228 = arith.constant 96 : index
      %get3A_229 = tpu.vector_load %arg9[%get3A_227, %get3A_228] {strides = array<i32>} : memref<8x128xi32, #tpu.memory_space<vmem>>, vector<16xi32>,
      tpu.vector_store_idx %arg17[%get3A_229], %broadcast_in_dim3A_12 {add = true} : memref<10240xf32, #tpu.memory_space<vmem>>[vector<16xi32>], vector<16xf32>,
      %get3A_230 = arith.constant 3 : i32
      %get3A_231 = arith.index_cast %get3A_230 : i32 to index
      %get3A_232 = arith.constant 112 : index
      %get3A_233 = tpu.vector_load %arg9[%get3A_231, %get3A_232] {strides = array<i32>} : memref<8x128xi32, #tpu.memory_space<vmem>>, vector<16xi32>,
      tpu.vector_store_idx %arg17[%get3A_233], %broadcast_in_dim3A_12 {add = true} : memref<10240xf32, #tpu.memory_space<vmem>>[vector<16xi32>], vector<16xf32>,
      %dma_wait3A_234 = arith.constant 3 : i32
      %dma_wait3A_235 = arith.constant 0 : i32
      %dma_wait3A_236 = tpu.memref_slice %arg8[%dma_wait3A_234, %dma_wait3A_235] : memref<8x128xi32, #tpu.memory_space<vmem>> -> memref<1x128xi32, #tpu.memory_space<vmem>>
      %dma_wait3A_237 = tpu.memref_squeeze %dma_wait3A_236 : memref<1x128xi32, #tpu.memory_space<vmem>> -> memref<128xi32, #tpu.memory_space<vmem>>
      %dma_wait3A_238 = arith.constant 0 : i32
      %dma_wait3A_239 = arith.constant 0 : i32
      %dma_wait3A_240 = tpu.memref_slice %arg2[%dma_wait3A_238, %dma_wait3A_239] : memref<10000x128xf32, #tpu.memory_space<hbm>> -> memref<10000x128xf32, #tpu.memory_space<hbm>>
      tpu.wait_indirect_dma semaphore(%arg13 : memref<!tpu.dma_semaphore, #tpu.memory_space<semaphore_mem>>) src(%dma_wait3A_240 : memref<10000x128xf32, #tpu.memory_space<hbm>>) dst(%arg11 : memref<128x128xf32, #tpu.memory_space<vmem>>)
      %dma_start3A_241 = arith.constant 3 : i32
      %dma_start3A_242 = arith.constant 0 : i32
      %dma_start3A_243 = tpu.memref_slice %arg9[%dma_start3A_241, %dma_start3A_242] : memref<8x128xi32, #tpu.memory_space<vmem>> -> memref<1x128xi32, #tpu.memory_space<vmem>>
      %dma_start3A_244 = tpu.memref_squeeze %dma_start3A_243 : memref<1x128xi32, #tpu.memory_space<vmem>> -> memref<128xi32, #tpu.memory_space<vmem>>
      %dma_start3A_245 = arith.constant 0 : i32
      %dma_start3A_246 = arith.constant 0 : i32
      %dma_start3A_247 = tpu.memref_slice %arg16[%dma_start3A_245, %dma_start3A_246] : memref<10112x128xf32, #tpu.memory_space<vmem_shared>> -> memref<10112x128xf32, #tpu.memory_space<vmem_shared>>
      tpu.enqueue_indirect_dma source(%arg11 : memref<128x128xf32, #tpu.memory_space<vmem>>) target(%dma_start3A_247 : memref<10112x128xf32, #tpu.memory_space<vmem_shared>>) offsets(%dma_start3A_244 : memref<128xi32, #tpu.memory_space<vmem>>) semaphore(%arg15 : memref<!tpu.dma_semaphore, #tpu.memory_space<semaphore_mem>>) {add = true}
      %dma_wait3A_248 = arith.constant 2 : i32
      %dma_wait3A_249 = arith.constant 0 : i32
      %dma_wait3A_250 = tpu.memref_slice %arg9[%dma_wait3A_248, %dma_wait3A_249] : memref<8x128xi32, #tpu.memory_space<vmem>> -> memref<1x128xi32, #tpu.memory_space<vmem>>
      %dma_wait3A_251 = tpu.memref_squeeze %dma_wait3A_250 : memref<1x128xi32, #tpu.memory_space<vmem>> -> memref<128xi32, #tpu.memory_space<vmem>>
      %dma_wait3A_252 = arith.constant 0 : i32
      %dma_wait3A_253 = arith.constant 0 : i32
      %dma_wait3A_254 = tpu.memref_slice %arg16[%dma_wait3A_252, %dma_wait3A_253] : memref<10112x128xf32, #tpu.memory_space<vmem_shared>> -> memref<10112x128xf32, #tpu.memory_space<vmem_shared>>
      tpu.wait_indirect_dma semaphore(%arg14 : memref<!tpu.dma_semaphore, #tpu.memory_space<semaphore_mem>>) src(%arg10 : memref<128x128xf32, #tpu.memory_space<vmem>>) dst(%dma_wait3A_254 : memref<10112x128xf32, #tpu.memory_space<vmem_shared>>)
      %dma_start3A_255 = arith.constant 4 : i32
      %dma_start3A_256 = arith.constant 0 : i32
      %dma_start3A_257 = tpu.memref_slice %arg8[%dma_start3A_255, %dma_start3A_256] : memref<8x128xi32, #tpu.memory_space<vmem>> -> memref<1x128xi32, #tpu.memory_space<vmem>>
      %dma_start3A_258 = tpu.memref_squeeze %dma_start3A_257 : memref<1x128xi32, #tpu.memory_space<vmem>> -> memref<128xi32, #tpu.memory_space<vmem>>
      %dma_start3A_259 = arith.constant 0 : i32
      %dma_start3A_260 = arith.constant 0 : i32
      %dma_start3A_261 = tpu.memref_slice %arg2[%dma_start3A_259, %dma_start3A_260] : memref<10000x128xf32, #tpu.memory_space<hbm>> -> memref<10000x128xf32, #tpu.memory_space<hbm>>
      tpu.enqueue_indirect_dma source(%dma_start3A_261 : memref<10000x128xf32, #tpu.memory_space<hbm>>) target(%arg10 : memref<128x128xf32, #tpu.memory_space<vmem>>) offsets(%dma_start3A_258 : memref<128xi32, #tpu.memory_space<vmem>>) semaphore(%arg12 : memref<!tpu.dma_semaphore, #tpu.memory_space<semaphore_mem>>)
      %get3A_262 = arith.constant 4 : i32
      %get3A_263 = arith.index_cast %get3A_262 : i32 to index
      %get3A_264 = arith.constant 0 : index
      %get3A_265 = tpu.vector_load %arg9[%get3A_263, %get3A_264] {strides = array<i32>} : memref<8x128xi32, #tpu.memory_space<vmem>>, vector<16xi32>,
      tpu.vector_store_idx %arg17[%get3A_265], %broadcast_in_dim3A_12 {add = true} : memref<10240xf32, #tpu.memory_space<vmem>>[vector<16xi32>], vector<16xf32>,
      %get3A_266 = arith.constant 4 : i32
      %get3A_267 = arith.index_cast %get3A_266 : i32 to index
      %get3A_268 = arith.constant 16 : index
      %get3A_269 = tpu.vector_load %arg9[%get3A_267, %get3A_268] {strides = array<i32>} : memref<8x128xi32, #tpu.memory_space<vmem>>, vector<16xi32>,
      tpu.vector_store_idx %arg17[%get3A_269], %broadcast_in_dim3A_12 {add = true} : memref<10240xf32, #tpu.memory_space<vmem>>[vector<16xi32>], vector<16xf32>,
      %get3A_270 = arith.constant 4 : i32
      %get3A_271 = arith.index_cast %get3A_270 : i32 to index
      %get3A_272 = arith.constant 32 : index
      %get3A_273 = tpu.vector_load %arg9[%get3A_271, %get3A_272] {strides = array<i32>} : memref<8x128xi32, #tpu.memory_space<vmem>>, vector<16xi32>,
      tpu.vector_store_idx %arg17[%get3A_273], %broadcast_in_dim3A_12 {add = true} : memref<10240xf32, #tpu.memory_space<vmem>>[vector<16xi32>], vector<16xf32>,
      %get3A_274 = arith.constant 4 : i32
      %get3A_275 = arith.index_cast %get3A_274 : i32 to index
      %get3A_276 = arith.constant 48 : index
      %get3A_277 = tpu.vector_load %arg9[%get3A_275, %get3A_276] {strides = array<i32>} : memref<8x128xi32, #tpu.memory_space<vmem>>, vector<16xi32>,
      tpu.vector_store_idx %arg17[%get3A_277], %broadcast_in_dim3A_12 {add = true} : memref<10240xf32, #tpu.memory_space<vmem>>[vector<16xi32>], vector<16xf32>,
      %get3A_278 = arith.constant 4 : i32
      %get3A_279 = arith.index_cast %get3A_278 : i32 to index
      %get3A_280 = arith.constant 64 : index
      %get3A_281 = tpu.vector_load %arg9[%get3A_279, %get3A_280] {strides = array<i32>} : memref<8x128xi32, #tpu.memory_space<vmem>>, vector<16xi32>,
      tpu.vector_store_idx %arg17[%get3A_281], %broadcast_in_dim3A_12 {add = true} : memref<10240xf32, #tpu.memory_space<vmem>>[vector<16xi32>], vector<16xf32>,
      %get3A_282 = arith.constant 4 : i32
      %get3A_283 = arith.index_cast %get3A_282 : i32 to index
      %get3A_284 = arith.constant 80 : index
      %get3A_285 = tpu.vector_load %arg9[%get3A_283, %get3A_284] {strides = array<i32>} : memref<8x128xi32, #tpu.memory_space<vmem>>, vector<16xi32>,
      tpu.vector_store_idx %arg17[%get3A_285], %broadcast_in_dim3A_12 {add = true} : memref<10240xf32, #tpu.memory_space<vmem>>[vector<16xi32>], vector<16xf32>,
      %get3A_286 = arith.constant 4 : i32
      %get3A_287 = arith.index_cast %get3A_286 : i32 to index
      %get3A_288 = arith.constant 96 : index
      %get3A_289 = tpu.vector_load %arg9[%get3A_287, %get3A_288] {strides = array<i32>} : memref<8x128xi32, #tpu.memory_space<vmem>>, vector<16xi32>,
      tpu.vector_store_idx %arg17[%get3A_289], %broadcast_in_dim3A_12 {add = true} : memref<10240xf32, #tpu.memory_space<vmem>>[vector<16xi32>], vector<16xf32>,
      %get3A_290 = arith.constant 4 : i32
      %get3A_291 = arith.index_cast %get3A_290 : i32 to index
      %get3A_292 = arith.constant 112 : index
      %get3A_293 = tpu.vector_load %arg9[%get3A_291, %get3A_292] {strides = array<i32>} : memref<8x128xi32, #tpu.memory_space<vmem>>, vector<16xi32>,
      tpu.vector_store_idx %arg17[%get3A_293], %broadcast_in_dim3A_12 {add = true} : memref<10240xf32, #tpu.memory_space<vmem>>[vector<16xi32>], vector<16xf32>,
      %dma_wait3A_294 = arith.constant 4 : i32
      %dma_wait3A_295 = arith.constant 0 : i32
      %dma_wait3A_296 = tpu.memref_slice %arg8[%dma_wait3A_294, %dma_wait3A_295] : memref<8x128xi32, #tpu.memory_space<vmem>> -> memref<1x128xi32, #tpu.memory_space<vmem>>
      %dma_wait3A_297 = tpu.memref_squeeze %dma_wait3A_296 : memref<1x128xi32, #tpu.memory_space<vmem>> -> memref<128xi32, #tpu.memory_space<vmem>>
      %dma_wait3A_298 = arith.constant 0 : i32
      %dma_wait3A_299 = arith.constant 0 : i32
      %dma_wait3A_300 = tpu.memref_slice %arg2[%dma_wait3A_298, %dma_wait3A_299] : memref<10000x128xf32, #tpu.memory_space<hbm>> -> memref<10000x128xf32, #tpu.memory_space<hbm>>
      tpu.wait_indirect_dma semaphore(%arg12 : memref<!tpu.dma_semaphore, #tpu.memory_space<semaphore_mem>>) src(%dma_wait3A_300 : memref<10000x128xf32, #tpu.memory_space<hbm>>) dst(%arg10 : memref<128x128xf32, #tpu.memory_space<vmem>>)
      %dma_start3A_301 = arith.constant 4 : i32
      %dma_start3A_302 = arith.constant 0 : i32
      %dma_start3A_303 = tpu.memref_slice %arg9[%dma_start3A_301, %dma_start3A_302] : memref<8x128xi32, #tpu.memory_space<vmem>> -> memref<1x128xi32, #tpu.memory_space<vmem>>
      %dma_start3A_304 = tpu.memref_squeeze %dma_start3A_303 : memref<1x128xi32, #tpu.memory_space<vmem>> -> memref<128xi32, #tpu.memory_space<vmem>>
      %dma_start3A_305 = arith.constant 0 : i32
      %dma_start3A_306 = arith.constant 0 : i32
      %dma_start3A_307 = tpu.memref_slice %arg16[%dma_start3A_305, %dma_start3A_306] : memref<10112x128xf32, #tpu.memory_space<vmem_shared>> -> memref<10112x128xf32, #tpu.memory_space<vmem_shared>>
      tpu.enqueue_indirect_dma source(%arg10 : memref<128x128xf32, #tpu.memory_space<vmem>>) target(%dma_start3A_307 : memref<10112x128xf32, #tpu.memory_space<vmem_shared>>) offsets(%dma_start3A_304 : memref<128xi32, #tpu.memory_space<vmem>>) semaphore(%arg14 : memref<!tpu.dma_semaphore, #tpu.memory_space<semaphore_mem>>) {add = true}
      %dma_wait3A_308 = arith.constant 3 : i32
      %dma_wait3A_309 = arith.constant 0 : i32
      %dma_wait3A_310 = tpu.memref_slice %arg9[%dma_wait3A_308, %dma_wait3A_309] : memref<8x128xi32, #tpu.memory_space<vmem>> -> memref<1x128xi32, #tpu.memory_space<vmem>>
      %dma_wait3A_311 = tpu.memref_squeeze %dma_wait3A_310 : memref<1x128xi32, #tpu.memory_space<vmem>> -> memref<128xi32, #tpu.memory_space<vmem>>
      %dma_wait3A_312 = arith.constant 0 : i32
      %dma_wait3A_313 = arith.constant 0 : i32
      %dma_wait3A_314 = tpu.memref_slice %arg16[%dma_wait3A_312, %dma_wait3A_313] : memref<10112x128xf32, #tpu.memory_space<vmem_shared>> -> memref<10112x128xf32, #tpu.memory_space<vmem_shared>>
      tpu.wait_indirect_dma semaphore(%arg15 : memref<!tpu.dma_semaphore, #tpu.memory_space<semaphore_mem>>) src(%arg11 : memref<128x128xf32, #tpu.memory_space<vmem>>) dst(%dma_wait3A_314 : memref<10112x128xf32, #tpu.memory_space<vmem_shared>>)
      %dma_start3A_315 = arith.constant 5 : i32
      %dma_start3A_316 = arith.constant 0 : i32
      %dma_start3A_317 = tpu.memref_slice %arg8[%dma_start3A_315, %dma_start3A_316] : memref<8x128xi32, #tpu.memory_space<vmem>> -> memref<1x128xi32, #tpu.memory_space<vmem>>
      %dma_start3A_318 = tpu.memref_squeeze %dma_start3A_317 : memref<1x128xi32, #tpu.memory_space<vmem>> -> memref<128xi32, #tpu.memory_space<vmem>>
      %dma_start3A_319 = arith.constant 0 : i32
      %dma_start3A_320 = arith.constant 0 : i32
      %dma_start3A_321 = tpu.memref_slice %arg2[%dma_start3A_319, %dma_start3A_320] : memref<10000x128xf32, #tpu.memory_space<hbm>> -> memref<10000x128xf32, #tpu.memory_space<hbm>>
      tpu.enqueue_indirect_dma source(%dma_start3A_321 : memref<10000x128xf32, #tpu.memory_space<hbm>>) target(%arg11 : memref<128x128xf32, #tpu.memory_space<vmem>>) offsets(%dma_start3A_318 : memref<128xi32, #tpu.memory_space<vmem>>) semaphore(%arg13 : memref<!tpu.dma_semaphore, #tpu.memory_space<semaphore_mem>>)
      %get3A_322 = arith.constant 5 : i32
      %get3A_323 = arith.index_cast %get3A_322 : i32 to index
      %get3A_324 = arith.constant 0 : index
      %get3A_325 = tpu.vector_load %arg9[%get3A_323, %get3A_324] {strides = array<i32>} : memref<8x128xi32, #tpu.memory_space<vmem>>, vector<16xi32>,
      tpu.vector_store_idx %arg17[%get3A_325], %broadcast_in_dim3A_12 {add = true} : memref<10240xf32, #tpu.memory_space<vmem>>[vector<16xi32>], vector<16xf32>,
      %get3A_326 = arith.constant 5 : i32
      %get3A_327 = arith.index_cast %get3A_326 : i32 to index
      %get3A_328 = arith.constant 16 : index
      %get3A_329 = tpu.vector_load %arg9[%get3A_327, %get3A_328] {strides = array<i32>} : memref<8x128xi32, #tpu.memory_space<vmem>>, vector<16xi32>,
      tpu.vector_store_idx %arg17[%get3A_329], %broadcast_in_dim3A_12 {add = true} : memref<10240xf32, #tpu.memory_space<vmem>>[vector<16xi32>], vector<16xf32>,
      %get3A_330 = arith.constant 5 : i32
      %get3A_331 = arith.index_cast %get3A_330 : i32 to index
      %get3A_332 = arith.constant 32 : index
      %get3A_333 = tpu.vector_load %arg9[%get3A_331, %get3A_332] {strides = array<i32>} : memref<8x128xi32, #tpu.memory_space<vmem>>, vector<16xi32>,
      tpu.vector_store_idx %arg17[%get3A_333], %broadcast_in_dim3A_12 {add = true} : memref<10240xf32, #tpu.memory_space<vmem>>[vector<16xi32>], vector<16xf32>,
      %get3A_334 = arith.constant 5 : i32
      %get3A_335 = arith.index_cast %get3A_334 : i32 to index
      %get3A_336 = arith.constant 48 : index
      %get3A_337 = tpu.vector_load %arg9[%get3A_335, %get3A_336] {strides = array<i32>} : memref<8x128xi32, #tpu.memory_space<vmem>>, vector<16xi32>,
      tpu.vector_store_idx %arg17[%get3A_337], %broadcast_in_dim3A_12 {add = true} : memref<10240xf32, #tpu.memory_space<vmem>>[vector<16xi32>], vector<16xf32>,
      %get3A_338 = arith.constant 5 : i32
      %get3A_339 = arith.index_cast %get3A_338 : i32 to index
      %get3A_340 = arith.constant 64 : index
      %get3A_341 = tpu.vector_load %arg9[%get3A_339, %get3A_340] {strides = array<i32>} : memref<8x128xi32, #tpu.memory_space<vmem>>, vector<16xi32>,
      tpu.vector_store_idx %arg17[%get3A_341], %broadcast_in_dim3A_12 {add = true} : memref<10240xf32, #tpu.memory_space<vmem>>[vector<16xi32>], vector<16xf32>,
      %get3A_342 = arith.constant 5 : i32
      %get3A_343 = arith.index_cast %get3A_342 : i32 to index
      %get3A_344 = arith.constant 80 : index
      %get3A_345 = tpu.vector_load %arg9[%get3A_343, %get3A_344] {strides = array<i32>} : memref<8x128xi32, #tpu.memory_space<vmem>>, vector<16xi32>,
      tpu.vector_store_idx %arg17[%get3A_345], %broadcast_in_dim3A_12 {add = true} : memref<10240xf32, #tpu.memory_space<vmem>>[vector<16xi32>], vector<16xf32>,
      %get3A_346 = arith.constant 5 : i32
      %get3A_347 = arith.index_cast %get3A_346 : i32 to index
      %get3A_348 = arith.constant 96 : index
      %get3A_349 = tpu.vector_load %arg9[%get3A_347, %get3A_348] {strides = array<i32>} : memref<8x128xi32, #tpu.memory_space<vmem>>, vector<16xi32>,
      tpu.vector_store_idx %arg17[%get3A_349], %broadcast_in_dim3A_12 {add = true} : memref<10240xf32, #tpu.memory_space<vmem>>[vector<16xi32>], vector<16xf32>,
      %get3A_350 = arith.constant 5 : i32
      %get3A_351 = arith.index_cast %get3A_350 : i32 to index
      %get3A_352 = arith.constant 112 : index
      %get3A_353 = tpu.vector_load %arg9[%get3A_351, %get3A_352] {strides = array<i32>} : memref<8x128xi32, #tpu.memory_space<vmem>>, vector<16xi32>,
      tpu.vector_store_idx %arg17[%get3A_353], %broadcast_in_dim3A_12 {add = true} : memref<10240xf32, #tpu.memory_space<vmem>>[vector<16xi32>], vector<16xf32>,
      %dma_wait3A_354 = arith.constant 5 : i32
      %dma_wait3A_355 = arith.constant 0 : i32
      %dma_wait3A_356 = tpu.memref_slice %arg8[%dma_wait3A_354, %dma_wait3A_355] : memref<8x128xi32, #tpu.memory_space<vmem>> -> memref<1x128xi32, #tpu.memory_space<vmem>>
      %dma_wait3A_357 = tpu.memref_squeeze %dma_wait3A_356 : memref<1x128xi32, #tpu.memory_space<vmem>> -> memref<128xi32, #tpu.memory_space<vmem>>
      %dma_wait3A_358 = arith.constant 0 : i32
      %dma_wait3A_359 = arith.constant 0 : i32
      %dma_wait3A_360 = tpu.memref_slice %arg2[%dma_wait3A_358, %dma_wait3A_359] : memref<10000x128xf32, #tpu.memory_space<hbm>> -> memref<10000x128xf32, #tpu.memory_space<hbm>>
      tpu.wait_indirect_dma semaphore(%arg13 : memref<!tpu.dma_semaphore, #tpu.memory_space<semaphore_mem>>) src(%dma_wait3A_360 : memref<10000x128xf32, #tpu.memory_space<hbm>>) dst(%arg11 : memref<128x128xf32, #tpu.memory_space<vmem>>)
      %dma_start3A_361 = arith.constant 5 : i32
      %dma_start3A_362 = arith.constant 0 : i32
      %dma_start3A_363 = tpu.memref_slice %arg9[%dma_start3A_361, %dma_start3A_362] : memref<8x128xi32, #tpu.memory_space<vmem>> -> memref<1x128xi32, #tpu.memory_space<vmem>>
      %dma_start3A_364 = tpu.memref_squeeze %dma_start3A_363 : memref<1x128xi32, #tpu.memory_space<vmem>> -> memref<128xi32, #tpu.memory_space<vmem>>
      %dma_start3A_365 = arith.constant 0 : i32
      %dma_start3A_366 = arith.constant 0 : i32
      %dma_start3A_367 = tpu.memref_slice %arg16[%dma_start3A_365, %dma_start3A_366] : memref<10112x128xf32, #tpu.memory_space<vmem_shared>> -> memref<10112x128xf32, #tpu.memory_space<vmem_shared>>
      tpu.enqueue_indirect_dma source(%arg11 : memref<128x128xf32, #tpu.memory_space<vmem>>) target(%dma_start3A_367 : memref<10112x128xf32, #tpu.memory_space<vmem_shared>>) offsets(%dma_start3A_364 : memref<128xi32, #tpu.memory_space<vmem>>) semaphore(%arg15 : memref<!tpu.dma_semaphore, #tpu.memory_space<semaphore_mem>>) {add = true}
      %dma_wait3A_368 = arith.constant 4 : i32
      %dma_wait3A_369 = arith.constant 0 : i32
      %dma_wait3A_370 = tpu.memref_slice %arg9[%dma_wait3A_368, %dma_wait3A_369] : memref<8x128xi32, #tpu.memory_space<vmem>> -> memref<1x128xi32, #tpu.memory_space<vmem>>
      %dma_wait3A_371 = tpu.memref_squeeze %dma_wait3A_370 : memref<1x128xi32, #tpu.memory_space<vmem>> -> memref<128xi32, #tpu.memory_space<vmem>>
      %dma_wait3A_372 = arith.constant 0 : i32
      %dma_wait3A_373 = arith.constant 0 : i32
      %dma_wait3A_374 = tpu.memref_slice %arg16[%dma_wait3A_372, %dma_wait3A_373] : memref<10112x128xf32, #tpu.memory_space<vmem_shared>> -> memref<10112x128xf32, #tpu.memory_space<vmem_shared>>
      tpu.wait_indirect_dma semaphore(%arg14 : memref<!tpu.dma_semaphore, #tpu.memory_space<semaphore_mem>>) src(%arg10 : memref<128x128xf32, #tpu.memory_space<vmem>>) dst(%dma_wait3A_374 : memref<10112x128xf32, #tpu.memory_space<vmem_shared>>)
      %dma_start3A_375 = arith.constant 6 : i32
      %dma_start3A_376 = arith.constant 0 : i32
      %dma_start3A_377 = tpu.memref_slice %arg8[%dma_start3A_375, %dma_start3A_376] : memref<8x128xi32, #tpu.memory_space<vmem>> -> memref<1x128xi32, #tpu.memory_space<vmem>>
      %dma_start3A_378 = tpu.memref_squeeze %dma_start3A_377 : memref<1x128xi32, #tpu.memory_space<vmem>> -> memref<128xi32, #tpu.memory_space<vmem>>
      %dma_start3A_379 = arith.constant 0 : i32
      %dma_start3A_380 = arith.constant 0 : i32
      %dma_start3A_381 = tpu.memref_slice %arg2[%dma_start3A_379, %dma_start3A_380] : memref<10000x128xf32, #tpu.memory_space<hbm>> -> memref<10000x128xf32, #tpu.memory_space<hbm>>
      tpu.enqueue_indirect_dma source(%dma_start3A_381 : memref<10000x128xf32, #tpu.memory_space<hbm>>) target(%arg10 : memref<128x128xf32, #tpu.memory_space<vmem>>) offsets(%dma_start3A_378 : memref<128xi32, #tpu.memory_space<vmem>>) semaphore(%arg12 : memref<!tpu.dma_semaphore, #tpu.memory_space<semaphore_mem>>)
      %get3A_382 = arith.constant 6 : i32
      %get3A_383 = arith.index_cast %get3A_382 : i32 to index
      %get3A_384 = arith.constant 0 : index
      %get3A_385 = tpu.vector_load %arg9[%get3A_383, %get3A_384] {strides = array<i32>} : memref<8x128xi32, #tpu.memory_space<vmem>>, vector<16xi32>,
      tpu.vector_store_idx %arg17[%get3A_385], %broadcast_in_dim3A_12 {add = true} : memref<10240xf32, #tpu.memory_space<vmem>>[vector<16xi32>], vector<16xf32>,
      %get3A_386 = arith.constant 6 : i32
      %get3A_387 = arith.index_cast %get3A_386 : i32 to index
      %get3A_388 = arith.constant 16 : index
      %get3A_389 = tpu.vector_load %arg9[%get3A_387, %get3A_388] {strides = array<i32>} : memref<8x128xi32, #tpu.memory_space<vmem>>, vector<16xi32>,
      tpu.vector_store_idx %arg17[%get3A_389], %broadcast_in_dim3A_12 {add = true} : memref<10240xf32, #tpu.memory_space<vmem>>[vector<16xi32>], vector<16xf32>,
      %get3A_390 = arith.constant 6 : i32
      %get3A_391 = arith.index_cast %get3A_390 : i32 to index
      %get3A_392 = arith.constant 32 : index
      %get3A_393 = tpu.vector_load %arg9[%get3A_391, %get3A_392] {strides = array<i32>} : memref<8x128xi32, #tpu.memory_space<vmem>>, vector<16xi32>,
      tpu.vector_store_idx %arg17[%get3A_393], %broadcast_in_dim3A_12 {add = true} : memref<10240xf32, #tpu.memory_space<vmem>>[vector<16xi32>], vector<16xf32>,
      %get3A_394 = arith.constant 6 : i32
      %get3A_395 = arith.index_cast %get3A_394 : i32 to index
      %get3A_396 = arith.constant 48 : index
      %get3A_397 = tpu.vector_load %arg9[%get3A_395, %get3A_396] {strides = array<i32>} : memref<8x128xi32, #tpu.memory_space<vmem>>, vector<16xi32>,
      tpu.vector_store_idx %arg17[%get3A_397], %broadcast_in_dim3A_12 {add = true} : memref<10240xf32, #tpu.memory_space<vmem>>[vector<16xi32>], vector<16xf32>,
      %get3A_398 = arith.constant 6 : i32
      %get3A_399 = arith.index_cast %get3A_398 : i32 to index
      %get3A_400 = arith.constant 64 : index
      %get3A_401 = tpu.vector_load %arg9[%get3A_399, %get3A_400] {strides = array<i32>} : memref<8x128xi32, #tpu.memory_space<vmem>>, vector<16xi32>,
      tpu.vector_store_idx %arg17[%get3A_401], %broadcast_in_dim3A_12 {add = true} : memref<10240xf32, #tpu.memory_space<vmem>>[vector<16xi32>], vector<16xf32>,
      %get3A_402 = arith.constant 6 : i32
      %get3A_403 = arith.index_cast %get3A_402 : i32 to index
      %get3A_404 = arith.constant 80 : index
      %get3A_405 = tpu.vector_load %arg9[%get3A_403, %get3A_404] {strides = array<i32>} : memref<8x128xi32, #tpu.memory_space<vmem>>, vector<16xi32>,
      tpu.vector_store_idx %arg17[%get3A_405], %broadcast_in_dim3A_12 {add = true} : memref<10240xf32, #tpu.memory_space<vmem>>[vector<16xi32>], vector<16xf32>,
      %get3A_406 = arith.constant 6 : i32
      %get3A_407 = arith.index_cast %get3A_406 : i32 to index
      %get3A_408 = arith.constant 96 : index
      %get3A_409 = tpu.vector_load %arg9[%get3A_407, %get3A_408] {strides = array<i32>} : memref<8x128xi32, #tpu.memory_space<vmem>>, vector<16xi32>,
      tpu.vector_store_idx %arg17[%get3A_409], %broadcast_in_dim3A_12 {add = true} : memref<10240xf32, #tpu.memory_space<vmem>>[vector<16xi32>], vector<16xf32>,
      %get3A_410 = arith.constant 6 : i32
      %get3A_411 = arith.index_cast %get3A_410 : i32 to index
      %get3A_412 = arith.constant 112 : index
      %get3A_413 = tpu.vector_load %arg9[%get3A_411, %get3A_412] {strides = array<i32>} : memref<8x128xi32, #tpu.memory_space<vmem>>, vector<16xi32>,
      tpu.vector_store_idx %arg17[%get3A_413], %broadcast_in_dim3A_12 {add = true} : memref<10240xf32, #tpu.memory_space<vmem>>[vector<16xi32>], vector<16xf32>,
      %dma_wait3A_414 = arith.constant 6 : i32
      %dma_wait3A_415 = arith.constant 0 : i32
      %dma_wait3A_416 = tpu.memref_slice %arg8[%dma_wait3A_414, %dma_wait3A_415] : memref<8x128xi32, #tpu.memory_space<vmem>> -> memref<1x128xi32, #tpu.memory_space<vmem>>
      %dma_wait3A_417 = tpu.memref_squeeze %dma_wait3A_416 : memref<1x128xi32, #tpu.memory_space<vmem>> -> memref<128xi32, #tpu.memory_space<vmem>>
      %dma_wait3A_418 = arith.constant 0 : i32
      %dma_wait3A_419 = arith.constant 0 : i32
      %dma_wait3A_420 = tpu.memref_slice %arg2[%dma_wait3A_418, %dma_wait3A_419] : memref<10000x128xf32, #tpu.memory_space<hbm>> -> memref<10000x128xf32, #tpu.memory_space<hbm>>
      tpu.wait_indirect_dma semaphore(%arg12 : memref<!tpu.dma_semaphore, #tpu.memory_space<semaphore_mem>>) src(%dma_wait3A_420 : memref<10000x128xf32, #tpu.memory_space<hbm>>) dst(%arg10 : memref<128x128xf32, #tpu.memory_space<vmem>>)
      %dma_start3A_421 = arith.constant 6 : i32
      %dma_start3A_422 = arith.constant 0 : i32
      %dma_start3A_423 = tpu.memref_slice %arg9[%dma_start3A_421, %dma_start3A_422] : memref<8x128xi32, #tpu.memory_space<vmem>> -> memref<1x128xi32, #tpu.memory_space<vmem>>
      %dma_start3A_424 = tpu.memref_squeeze %dma_start3A_423 : memref<1x128xi32, #tpu.memory_space<vmem>> -> memref<128xi32, #tpu.memory_space<vmem>>
      %dma_start3A_425 = arith.constant 0 : i32
      %dma_start3A_426 = arith.constant 0 : i32
      %dma_start3A_427 = tpu.memref_slice %arg16[%dma_start3A_425, %dma_start3A_426] : memref<10112x128xf32, #tpu.memory_space<vmem_shared>> -> memref<10112x128xf32, #tpu.memory_space<vmem_shared>>
      tpu.enqueue_indirect_dma source(%arg10 : memref<128x128xf32, #tpu.memory_space<vmem>>) target(%dma_start3A_427 : memref<10112x128xf32, #tpu.memory_space<vmem_shared>>) offsets(%dma_start3A_424 : memref<128xi32, #tpu.memory_space<vmem>>) semaphore(%arg14 : memref<!tpu.dma_semaphore, #tpu.memory_space<semaphore_mem>>) {add = true}
      %dma_wait3A_428 = arith.constant 5 : i32
      %dma_wait3A_429 = arith.constant 0 : i32
      %dma_wait3A_430 = tpu.memref_slice %arg9[%dma_wait3A_428, %dma_wait3A_429] : memref<8x128xi32, #tpu.memory_space<vmem>> -> memref<1x128xi32, #tpu.memory_space<vmem>>
      %dma_wait3A_431 = tpu.memref_squeeze %dma_wait3A_430 : memref<1x128xi32, #tpu.memory_space<vmem>> -> memref<128xi32, #tpu.memory_space<vmem>>
      %dma_wait3A_432 = arith.constant 0 : i32
      %dma_wait3A_433 = arith.constant 0 : i32
      %dma_wait3A_434 = tpu.memref_slice %arg16[%dma_wait3A_432, %dma_wait3A_433] : memref<10112x128xf32, #tpu.memory_space<vmem_shared>> -> memref<10112x128xf32, #tpu.memory_space<vmem_shared>>
      tpu.wait_indirect_dma semaphore(%arg15 : memref<!tpu.dma_semaphore, #tpu.memory_space<semaphore_mem>>) src(%arg11 : memref<128x128xf32, #tpu.memory_space<vmem>>) dst(%dma_wait3A_434 : memref<10112x128xf32, #tpu.memory_space<vmem_shared>>)
      %dma_start3A_435 = arith.constant 7 : i32
      %dma_start3A_436 = arith.constant 0 : i32
      %dma_start3A_437 = tpu.memref_slice %arg8[%dma_start3A_435, %dma_start3A_436] : memref<8x128xi32, #tpu.memory_space<vmem>> -> memref<1x128xi32, #tpu.memory_space<vmem>>
      %dma_start3A_438 = tpu.memref_squeeze %dma_start3A_437 : memref<1x128xi32, #tpu.memory_space<vmem>> -> memref<128xi32, #tpu.memory_space<vmem>>
      %dma_start3A_439 = arith.constant 0 : i32
      %dma_start3A_440 = arith.constant 0 : i32
      %dma_start3A_441 = tpu.memref_slice %arg2[%dma_start3A_439, %dma_start3A_440] : memref<10000x128xf32, #tpu.memory_space<hbm>> -> memref<10000x128xf32, #tpu.memory_space<hbm>>
      tpu.enqueue_indirect_dma source(%dma_start3A_441 : memref<10000x128xf32, #tpu.memory_space<hbm>>) target(%arg11 : memref<128x128xf32, #tpu.memory_space<vmem>>) offsets(%dma_start3A_438 : memref<128xi32, #tpu.memory_space<vmem>>) semaphore(%arg13 : memref<!tpu.dma_semaphore, #tpu.memory_space<semaphore_mem>>)
      %get3A_442 = arith.constant 7 : i32
      %get3A_443 = arith.index_cast %get3A_442 : i32 to index
      %get3A_444 = arith.constant 0 : index
      %get3A_445 = tpu.vector_load %arg9[%get3A_443, %get3A_444] {strides = array<i32>} : memref<8x128xi32, #tpu.memory_space<vmem>>, vector<16xi32>,
      tpu.vector_store_idx %arg17[%get3A_445], %broadcast_in_dim3A_12 {add = true} : memref<10240xf32, #tpu.memory_space<vmem>>[vector<16xi32>], vector<16xf32>,
      %get3A_446 = arith.constant 7 : i32
      %get3A_447 = arith.index_cast %get3A_446 : i32 to index
      %get3A_448 = arith.constant 16 : index
      %get3A_449 = tpu.vector_load %arg9[%get3A_447, %get3A_448] {strides = array<i32>} : memref<8x128xi32, #tpu.memory_space<vmem>>, vector<16xi32>,
      tpu.vector_store_idx %arg17[%get3A_449], %broadcast_in_dim3A_12 {add = true} : memref<10240xf32, #tpu.memory_space<vmem>>[vector<16xi32>], vector<16xf32>,
      %get3A_450 = arith.constant 7 : i32
      %get3A_451 = arith.index_cast %get3A_450 : i32 to index
      %get3A_452 = arith.constant 32 : index
      %get3A_453 = tpu.vector_load %arg9[%get3A_451, %get3A_452] {strides = array<i32>} : memref<8x128xi32, #tpu.memory_space<vmem>>, vector<16xi32>,
      tpu.vector_store_idx %arg17[%get3A_453], %broadcast_in_dim3A_12 {add = true} : memref<10240xf32, #tpu.memory_space<vmem>>[vector<16xi32>], vector<16xf32>,
      %get3A_454 = arith.constant 7 : i32
      %get3A_455 = arith.index_cast %get3A_454 : i32 to index
      %get3A_456 = arith.constant 48 : index
      %get3A_457 = tpu.vector_load %arg9[%get3A_455, %get3A_456] {strides = array<i32>} : memref<8x128xi32, #tpu.memory_space<vmem>>, vector<16xi32>,
      tpu.vector_store_idx %arg17[%get3A_457], %broadcast_in_dim3A_12 {add = true} : memref<10240xf32, #tpu.memory_space<vmem>>[vector<16xi32>], vector<16xf32>,
      %get3A_458 = arith.constant 7 : i32
      %get3A_459 = arith.index_cast %get3A_458 : i32 to index
      %get3A_460 = arith.constant 64 : index
      %get3A_461 = tpu.vector_load %arg9[%get3A_459, %get3A_460] {strides = array<i32>} : memref<8x128xi32, #tpu.memory_space<vmem>>, vector<16xi32>,
      tpu.vector_store_idx %arg17[%get3A_461], %broadcast_in_dim3A_12 {add = true} : memref<10240xf32, #tpu.memory_space<vmem>>[vector<16xi32>], vector<16xf32>,
      %get3A_462 = arith.constant 7 : i32
      %get3A_463 = arith.index_cast %get3A_462 : i32 to index
      %get3A_464 = arith.constant 80 : index
      %get3A_465 = tpu.vector_load %arg9[%get3A_463, %get3A_464] {strides = array<i32>} : memref<8x128xi32, #tpu.memory_space<vmem>>, vector<16xi32>,
      tpu.vector_store_idx %arg17[%get3A_465], %broadcast_in_dim3A_12 {add = true} : memref<10240xf32, #tpu.memory_space<vmem>>[vector<16xi32>], vector<16xf32>,
      %get3A_466 = arith.constant 7 : i32
      %get3A_467 = arith.index_cast %get3A_466 : i32 to index
      %get3A_468 = arith.constant 96 : index
      %get3A_469 = tpu.vector_load %arg9[%get3A_467, %get3A_468] {strides = array<i32>} : memref<8x128xi32, #tpu.memory_space<vmem>>, vector<16xi32>,
      tpu.vector_store_idx %arg17[%get3A_469], %broadcast_in_dim3A_12 {add = true} : memref<10240xf32, #tpu.memory_space<vmem>>[vector<16xi32>], vector<16xf32>,
      %get3A_470 = arith.constant 7 : i32
      %get3A_471 = arith.index_cast %get3A_470 : i32 to index
      %get3A_472 = arith.constant 112 : index
      %get3A_473 = tpu.vector_load %arg9[%get3A_471, %get3A_472] {strides = array<i32>} : memref<8x128xi32, #tpu.memory_space<vmem>>, vector<16xi32>,
      tpu.vector_store_idx %arg17[%get3A_473], %broadcast_in_dim3A_12 {add = true} : memref<10240xf32, #tpu.memory_space<vmem>>[vector<16xi32>], vector<16xf32>,
      %dma_wait3A_474 = arith.constant 7 : i32
      %dma_wait3A_475 = arith.constant 0 : i32
      %dma_wait3A_476 = tpu.memref_slice %arg8[%dma_wait3A_474, %dma_wait3A_475] : memref<8x128xi32, #tpu.memory_space<vmem>> -> memref<1x128xi32, #tpu.memory_space<vmem>>
      %dma_wait3A_477 = tpu.memref_squeeze %dma_wait3A_476 : memref<1x128xi32, #tpu.memory_space<vmem>> -> memref<128xi32, #tpu.memory_space<vmem>>
      %dma_wait3A_478 = arith.constant 0 : i32
      %dma_wait3A_479 = arith.constant 0 : i32
      %dma_wait3A_480 = tpu.memref_slice %arg2[%dma_wait3A_478, %dma_wait3A_479] : memref<10000x128xf32, #tpu.memory_space<hbm>> -> memref<10000x128xf32, #tpu.memory_space<hbm>>
      tpu.wait_indirect_dma semaphore(%arg13 : memref<!tpu.dma_semaphore, #tpu.memory_space<semaphore_mem>>) src(%dma_wait3A_480 : memref<10000x128xf32, #tpu.memory_space<hbm>>) dst(%arg11 : memref<128x128xf32, #tpu.memory_space<vmem>>)
      %dma_start3A_481 = arith.constant 7 : i32
      %dma_start3A_482 = arith.constant 0 : i32
      %dma_start3A_483 = tpu.memref_slice %arg9[%dma_start3A_481, %dma_start3A_482] : memref<8x128xi32, #tpu.memory_space<vmem>> -> memref<1x128xi32, #tpu.memory_space<vmem>>
      %dma_start3A_484 = tpu.memref_squeeze %dma_start3A_483 : memref<1x128xi32, #tpu.memory_space<vmem>> -> memref<128xi32, #tpu.memory_space<vmem>>
      %dma_start3A_485 = arith.constant 0 : i32
      %dma_start3A_486 = arith.constant 0 : i32
      %dma_start3A_487 = tpu.memref_slice %arg16[%dma_start3A_485, %dma_start3A_486] : memref<10112x128xf32, #tpu.memory_space<vmem_shared>> -> memref<10112x128xf32, #tpu.memory_space<vmem_shared>>
      tpu.enqueue_indirect_dma source(%arg11 : memref<128x128xf32, #tpu.memory_space<vmem>>) target(%dma_start3A_487 : memref<10112x128xf32, #tpu.memory_space<vmem_shared>>) offsets(%dma_start3A_484 : memref<128xi32, #tpu.memory_space<vmem>>) semaphore(%arg15 : memref<!tpu.dma_semaphore, #tpu.memory_space<semaphore_mem>>) {add = true}
      %dma_wait3A_488 = arith.constant 6 : i32
      %dma_wait3A_489 = arith.constant 0 : i32
      %dma_wait3A_490 = tpu.memref_slice %arg9[%dma_wait3A_488, %dma_wait3A_489] : memref<8x128xi32, #tpu.memory_space<vmem>> -> memref<1x128xi32, #tpu.memory_space<vmem>>
      %dma_wait3A_491 = tpu.memref_squeeze %dma_wait3A_490 : memref<1x128xi32, #tpu.memory_space<vmem>> -> memref<128xi32, #tpu.memory_space<vmem>>
      %dma_wait3A_492 = arith.constant 0 : i32
      %dma_wait3A_493 = arith.constant 0 : i32
      %dma_wait3A_494 = tpu.memref_slice %arg16[%dma_wait3A_492, %dma_wait3A_493] : memref<10112x128xf32, #tpu.memory_space<vmem_shared>> -> memref<10112x128xf32, #tpu.memory_space<vmem_shared>>
      tpu.wait_indirect_dma semaphore(%arg14 : memref<!tpu.dma_semaphore, #tpu.memory_space<semaphore_mem>>) src(%arg10 : memref<128x128xf32, #tpu.memory_space<vmem>>) dst(%dma_wait3A_494 : memref<10112x128xf32, #tpu.memory_space<vmem_shared>>)
      %dma_wait3A_495 = arith.constant 7 : i32
      %dma_wait3A_496 = arith.constant 0 : i32
      %dma_wait3A_497 = tpu.memref_slice %arg9[%dma_wait3A_495, %dma_wait3A_496] : memref<8x128xi32, #tpu.memory_space<vmem>> -> memref<1x128xi32, #tpu.memory_space<vmem>>
      %dma_wait3A_498 = tpu.memref_squeeze %dma_wait3A_497 : memref<1x128xi32, #tpu.memory_space<vmem>> -> memref<128xi32, #tpu.memory_space<vmem>>
      %dma_wait3A_499 = arith.constant 0 : i32
      %dma_wait3A_500 = arith.constant 0 : i32
      %dma_wait3A_501 = tpu.memref_slice %arg16[%dma_wait3A_499, %dma_wait3A_500] : memref<10112x128xf32, #tpu.memory_space<vmem_shared>> -> memref<10112x128xf32, #tpu.memory_space<vmem_shared>>
      tpu.wait_indirect_dma semaphore(%arg15 : memref<!tpu.dma_semaphore, #tpu.memory_space<semaphore_mem>>) src(%arg11 : memref<128x128xf32, #tpu.memory_space<vmem>>) dst(%dma_wait3A_501 : memref<10112x128xf32, #tpu.memory_space<vmem_shared>>)
    }
    %scan3A_18 = arith.constant 10 : i32
    %barrier3A_19 = arith.constant 0 : index
    tpu.barrier barrier_id(%barrier3A_19)
    "tpu.region"() ({
      %run_scoped3A = tpu.sem_alloc : memref<!tpu.dma_semaphore, #tpu.memory_space<semaphore_mem>>
      %dma_start3A = arith.constant 0 : i32
      %dma_start3A_20 = tpu.memref_slice %arg6[%arg0, %multiple_of3A, %dma_start3A] : memref<2x10112x128xf32, #tpu.memory_space<hbm>> -> memref<1x632x128xf32, #tpu.memory_space<hbm>>
      %dma_start3A_21 = tpu.memref_squeeze %dma_start3A_20 : memref<1x632x128xf32, #tpu.memory_space<hbm>> -> memref<632x128xf32, #tpu.memory_space<hbm>>
      %dma_start3A_22 = arith.constant 0 : i32
      %dma_start3A_23 = tpu.memref_slice %arg16[%multiple_of3A, %dma_start3A_22] : memref<10112x128xf32, #tpu.memory_space<vmem_shared>> -> memref<632x128xf32, #tpu.memory_space<vmem_shared>>
      tpu.enqueue_dma source(%dma_start3A_23 : memref<632x128xf32, #tpu.memory_space<vmem_shared>>) target(%dma_start3A_21 : memref<632x128xf32, #tpu.memory_space<hbm>>) target_semaphore(%run_scoped3A : memref<!tpu.dma_semaphore, #tpu.memory_space<semaphore_mem>>)
      %dma_wait3A = arith.constant 0 : i32
      %dma_wait3A_24 = tpu.memref_slice %arg6[%arg0, %multiple_of3A, %dma_wait3A] : memref<2x10112x128xf32, #tpu.memory_space<hbm>> -> memref<1x632x128xf32, #tpu.memory_space<hbm>>
      %dma_wait3A_25 = tpu.memref_squeeze %dma_wait3A_24 : memref<1x632x128xf32, #tpu.memory_space<hbm>> -> memref<632x128xf32, #tpu.memory_space<hbm>>
      %dma_wait3A_26 = arith.constant 0 : i32
      %dma_wait3A_27 = tpu.memref_slice %arg16[%multiple_of3A, %dma_wait3A_26] : memref<10112x128xf32, #tpu.memory_space<vmem_shared>> -> memref<632x128xf32, #tpu.memory_space<vmem_shared>>
      tpu.wait_dma2 semaphore(%run_scoped3A : memref<!tpu.dma_semaphore, #tpu.memory_space<semaphore_mem>>) src(%dma_wait3A_27 : memref<632x128xf32, #tpu.memory_space<vmem_shared>>) dst(%dma_wait3A_25 : memref<632x128xf32, #tpu.memory_space<hbm>>)
      tpu.yield
    }) : () -> ()
    "tpu.region"() ({
      %run_scoped3A = tpu.sem_alloc : memref<!tpu.dma_semaphore, #tpu.memory_space<semaphore_mem>>
      %dma_start3A = arith.constant 0 : i32
      %dma_start3A_20 = tpu.memref_slice %arg7[%arg0, %arg1, %dma_start3A] : memref<2x16x10240xf32, #tpu.memory_space<hbm>> -> memref<1x1x10240xf32, #tpu.memory_space<hbm>>
      %dma_start3A_21 = tpu.memref_squeeze %dma_start3A_20 : memref<1x1x10240xf32, #tpu.memory_space<hbm>> -> memref<10240xf32, #tpu.memory_space<hbm>>
      %dma_start3A_22 = arith.constant 0 : i32
      %dma_start3A_23 = tpu.memref_slice %arg7[%arg0, %arg1, %dma_start3A_22] : memref<2x16x10240xf32, #tpu.memory_space<hbm>> -> memref<1x1x10240xf32, #tpu.memory_space<hbm>>
      %dma_start3A_24 = tpu.memref_squeeze %dma_start3A_23 : memref<1x1x10240xf32, #tpu.memory_space<hbm>> -> memref<10240xf32, #tpu.memory_space<hbm>>
      tpu.enqueue_dma source(%arg17 : memref<10240xf32, #tpu.memory_space<vmem>>) target(%dma_start3A_24 : memref<10240xf32, #tpu.memory_space<hbm>>) target_semaphore(%run_scoped3A : memref<!tpu.dma_semaphore, #tpu.memory_space<semaphore_mem>>)
      %dma_wait3A = arith.constant 0 : i32
      %dma_wait3A_25 = tpu.memref_slice %arg7[%arg0, %arg1, %dma_wait3A] : memref<2x16x10240xf32, #tpu.memory_space<hbm>> -> memref<1x1x10240xf32, #tpu.memory_space<hbm>>
      %dma_wait3A_26 = tpu.memref_squeeze %dma_wait3A_25 : memref<1x1x10240xf32, #tpu.memory_space<hbm>> -> memref<10240xf32, #tpu.memory_space<hbm>>
      %dma_wait3A_27 = arith.constant 0 : i32
      %dma_wait3A_28 = tpu.memref_slice %arg7[%arg0, %arg1, %dma_wait3A_27] : memref<2x16x10240xf32, #tpu.memory_space<hbm>> -> memref<1x1x10240xf32, #tpu.memory_space<hbm>>
      %dma_wait3A_29 = tpu.memref_squeeze %dma_wait3A_28 : memref<1x1x10240xf32, #tpu.memory_space<hbm>> -> memref<10240xf32, #tpu.memory_space<hbm>>
      tpu.wait_dma2 semaphore(%run_scoped3A : memref<!tpu.dma_semaphore, #tpu.memory_space<semaphore_mem>>) src(%arg17 : memref<10240xf32, #tpu.memory_space<vmem>>) dst(%dma_wait3A_29 : memref<10240xf32, #tpu.memory_space<hbm>>)
      tpu.yield
    }) : () -> ()
    return
  }
}

module attributes {stable_mosaic.version = 14 : i64} {
  func.func @body(%arg0: memref<32x10240xf32, #tpu.memory_space<vmem>>, %arg1: memref<1x10240xf32, #tpu.memory_space<vmem>>) attributes {dimension_semantics = [], scalar_prefetch = 0 : i64, scratch_operands = 0 : i64, tpu.core_type = #tpu.core_type<tc>} {
    %get3A = arith.constant 0 : index
    %get3A_0 = arith.constant 0 : index
    %get3A_1 = vector.load %arg0[%get3A, %get3A_0] : memref<32x10240xf32, #tpu.memory_space<vmem>>, vector<32x10240xf32>
    %reduce_sum3A = arith.constant dense<0.000000e+00> : vector<10240xf32>
    %reduce_sum3A_2 = vector.multi_reduction <add>, %get3A_1, %reduce_sum3A [0] : vector<32x10240xf32> to vector<10240xf32>
    %broadcast_in_dim3A = vector.shape_cast %reduce_sum3A_2 : vector<10240xf32> to vector<1x10240xf32>
    %swap3A = arith.constant 0 : index
    %swap3A_3 = arith.constant 0 : index
    %swap3A_4 = vector.load %arg1[%swap3A, %swap3A_3] : memref<1x10240xf32, #tpu.memory_space<vmem>>, vector<1x10240xf32>
    tpu.vector_store %arg1[%swap3A, %swap3A_3], %broadcast_in_dim3A {strides = array<i32>} : memref<1x10240xf32, #tpu.memory_space<vmem>>, vector<1x10240xf32>,
    return
  }
}

module attributes {stable_mosaic.version = 14 : i64} {
  func.func @body(%arg0: i32, %arg1: memref<400x128xf32, #tpu.memory_space<vmem>>, %arg2: memref<400x128xf32, #tpu.memory_space<vmem>>, %arg3: memref<1x1x400xf32, #tpu.memory_space<vmem>>, %arg4: memref<400x128xf32, #tpu.memory_space<vmem>>, %arg5: memref<128x128xf32, #tpu.memory_space<vmem>>, %arg6: memref<1x128xf32, #tpu.memory_space<vmem>>, %arg7: memref<128x128xf32, #tpu.memory_space<vmem>>, %arg8: memref<400x128xf32, #tpu.memory_space<vmem>>) attributes {dimension_semantics = [#tpu.dimension_semantics<arbitrary>], iteration_bounds = array<i64: 25>, scalar_prefetch = 0 : i64, scratch_operands = 0 : i64, tpu.core_type = #tpu.core_type<tc>, window_params = [{transform_indices = @transform_0, window_bounds = array<i64: 400, 128>}, {transform_indices = @transform_1, window_bounds = array<i64: 400, 128>}, {transform_indices = @transform_2, window_bounds = array<i64: 1, 1, 400>}, {transform_indices = @transform_3, window_bounds = array<i64: 400, 128>}, {pipeline_mode = #tpu.pipeline_mode<synchronous>, transform_indices = @transform_4, window_bounds = array<i64: 128, 128>}, {pipeline_mode = #tpu.pipeline_mode<synchronous>, transform_indices = @transform_5, window_bounds = array<i64: 1, 128>}, {pipeline_mode = #tpu.pipeline_mode<synchronous>, transform_indices = @transform_6, window_bounds = array<i64: 128, 128>}, {transform_indices = @transform_7, window_bounds = array<i64: 400, 128>}]} {
    %get3A = arith.constant 0 : index
    %get3A_0 = arith.constant 0 : index
    %get3A_1 = vector.load %arg1[%get3A, %get3A_0] : memref<400x128xf32, #tpu.memory_space<vmem>>, vector<400x128xf32>
    %get3A_2 = arith.constant 0 : index
    %get3A_3 = arith.constant 0 : index
    %get3A_4 = vector.load %arg2[%get3A_2, %get3A_3] : memref<400x128xf32, #tpu.memory_space<vmem>>, vector<400x128xf32>
    %add3A = arith.addf %get3A_1, %get3A_4 : vector<400x128xf32>
    %get3A_5 = arith.constant 0 : index
    %get3A_6 = arith.constant 0 : index
    %get3A_7 = arith.constant 0 : index
    %get3A_8 = vector.load %arg3[%get3A_5, %get3A_6, %get3A_7] : memref<1x1x400xf32, #tpu.memory_space<vmem>>, vector<1x1x400xf32>
    %get3A_9 = vector.shape_cast %get3A_8 : vector<1x1x400xf32> to vector<1x400xf32>
    %broadcast_in_dim3A = arith.constant 1.000000e+00 : f32
    %broadcast_in_dim3A_10 = vector.broadcast %broadcast_in_dim3A : f32 to vector<1x128xf32>
    %dot_general3A = arith.constant dense<0.000000e+00> : vector<400x128xf32>
    %dot_general3A_11 = tpu.matmul %get3A_9, %broadcast_in_dim3A_10, %dot_general3A {dimension_numbers = #tpu.dot_dimension_numbers<[0], [0], [1], [1], [0, 1, 1, 1], [], []>, transpose_lhs_hint = false} : vector<1x400xf32>, vector<1x128xf32>, vector<400x128xf32> -> vector<400x128xf32>
    %max3A = arith.constant 1.000000e+00 : f32
    %max3A_12 = vector.broadcast %max3A : f32 to vector<400x128xf32>
    %max3A_13 = arith.maximumf %dot_general3A_11, %max3A_12 : vector<400x128xf32>
    %div3A = arith.divf %add3A, %max3A_13 : vector<400x128xf32>
    %get3A_14 = arith.constant 0 : index
    %get3A_15 = arith.constant 0 : index
    %get3A_16 = vector.load %arg5[%get3A_14, %get3A_15] : memref<128x128xf32, #tpu.memory_space<vmem>>, vector<128x128xf32>
    %dot_general3A_17 = arith.constant dense<0.000000e+00> : vector<400x128xf32>
    %dot_general3A_18 = tpu.matmul %div3A, %get3A_16, %dot_general3A_17 {dimension_numbers = #tpu.dot_dimension_numbers<[1], [1], [0], [0], [0, 0, 1, 0], [], []>, transpose_lhs_hint = false} : vector<400x128xf32>, vector<128x128xf32>, vector<400x128xf32> -> vector<400x128xf32>
    %get3A_19 = arith.constant 0 : index
    %get3A_20 = arith.constant 0 : index
    %get3A_21 = vector.load %arg4[%get3A_19, %get3A_20] : memref<400x128xf32, #tpu.memory_space<vmem>>, vector<400x128xf32>
    %get3A_22 = arith.constant 0 : index
    %get3A_23 = arith.constant 0 : index
    %get3A_24 = vector.load %arg7[%get3A_22, %get3A_23] : memref<128x128xf32, #tpu.memory_space<vmem>>, vector<128x128xf32>
    %dot_general3A_25 = arith.constant dense<0.000000e+00> : vector<400x128xf32>
    %dot_general3A_26 = tpu.matmul %get3A_21, %get3A_24, %dot_general3A_25 {dimension_numbers = #tpu.dot_dimension_numbers<[1], [1], [0], [0], [0, 0, 1, 0], [], []>, transpose_lhs_hint = false} : vector<400x128xf32>, vector<128x128xf32>, vector<400x128xf32> -> vector<400x128xf32>
    %add3A_27 = arith.addf %dot_general3A_18, %dot_general3A_26 : vector<400x128xf32>
    %get3A_28 = arith.constant 0 : index
    %get3A_29 = arith.constant 0 : index
    %get3A_30 = vector.load %arg6[%get3A_28, %get3A_29] : memref<1x128xf32, #tpu.memory_space<vmem>>, vector<1x128xf32>
    %add3A_31 = vector.broadcast %get3A_30 : vector<1x128xf32> to vector<400x128xf32>
    %add3A_32 = arith.addf %add3A_27, %add3A_31 : vector<400x128xf32>
    %max3A_33 = arith.constant 0.000000e+00 : f32
    %max3A_34 = vector.broadcast %max3A_33 : f32 to vector<400x128xf32>
    %max3A_35 = arith.maximumf %add3A_32, %max3A_34 : vector<400x128xf32>
    %swap3A = arith.constant 0 : index
    %swap3A_36 = arith.constant 0 : index
    %swap3A_37 = vector.load %arg8[%swap3A, %swap3A_36] : memref<400x128xf32, #tpu.memory_space<vmem>>, vector<400x128xf32>
    tpu.vector_store %arg8[%swap3A, %swap3A_36], %max3A_35 {strides = array<i32>} : memref<400x128xf32, #tpu.memory_space<vmem>>, vector<400x128xf32>,
    return
  }
  func.func @transform_0(%arg0: i32) -> (i32, i32) {
    %c0_i32 = arith.constant 0 : i32
    %c0_i32_0 = arith.constant 0 : i32
    return %arg0, %c0_i32 : i32, i32
  }
  func.func @transform_1(%arg0: i32) -> (i32, i32) {
    %c0_i32 = arith.constant 0 : i32
    %c0_i32_0 = arith.constant 0 : i32
    return %arg0, %c0_i32 : i32, i32
  }
  func.func @transform_2(%arg0: i32) -> (i32, i32, i32) {
    %c0_i32 = arith.constant 0 : i32
    %c0_i32_0 = arith.constant 0 : i32
    %c0_i32_1 = arith.constant 0 : i32
    return %arg0, %c0_i32, %c0_i32_0 : i32, i32, i32
  }
  func.func @transform_3(%arg0: i32) -> (i32, i32) {
    %c0_i32 = arith.constant 0 : i32
    %c0_i32_0 = arith.constant 0 : i32
    return %arg0, %c0_i32 : i32, i32
  }
  func.func @transform_4(%arg0: i32) -> (i32, i32) {
    %c0_i32 = arith.constant 0 : i32
    %c0_i32_0 = arith.constant 0 : i32
    %c0_i32_1 = arith.constant 0 : i32
    return %c0_i32, %c0_i32_0 : i32, i32
  }
  func.func @transform_5(%arg0: i32) -> (i32, i32) {
    %c0_i32 = arith.constant 0 : i32
    %c0_i32_0 = arith.constant 0 : i32
    %c0_i32_1 = arith.constant 0 : i32
    return %c0_i32, %c0_i32_0 : i32, i32
  }
  func.func @transform_6(%arg0: i32) -> (i32, i32) {
    %c0_i32 = arith.constant 0 : i32
    %c0_i32_0 = arith.constant 0 : i32
    %c0_i32_1 = arith.constant 0 : i32
    return %c0_i32, %c0_i32_0 : i32, i32
  }
  func.func @transform_7(%arg0: i32) -> (i32, i32) {
    %c0_i32 = arith.constant 0 : i32
    %c0_i32_0 = arith.constant 0 : i32
    return %arg0, %c0_i32 : i32, i32
  }
}

module attributes {stable_mosaic.version = 14 : i64} {
  func.func @body(%arg0: i32, %arg1: memref<400x128xf32, #tpu.memory_space<vmem>>, %arg2: memref<400x128xf32, #tpu.memory_space<vmem>>, %arg3: memref<1x1x400xf32, #tpu.memory_space<vmem>>, %arg4: memref<400x128xf32, #tpu.memory_space<vmem>>, %arg5: memref<128x128xf32, #tpu.memory_space<vmem>>, %arg6: memref<1x128xf32, #tpu.memory_space<vmem>>, %arg7: memref<128x128xf32, #tpu.memory_space<vmem>>, %arg8: memref<400x128xf32, #tpu.memory_space<vmem>>, %arg9: memref<400x128xf32, #tpu.memory_space<vmem>>) attributes {dimension_semantics = [#tpu.dimension_semantics<arbitrary>], iteration_bounds = array<i64: 25>, scalar_prefetch = 0 : i64, scratch_operands = 0 : i64, tpu.core_type = #tpu.core_type<tc>, window_params = [{transform_indices = @transform_0, window_bounds = array<i64: 400, 128>}, {transform_indices = @transform_1, window_bounds = array<i64: 400, 128>}, {transform_indices = @transform_2, window_bounds = array<i64: 1, 1, 400>}, {transform_indices = @transform_3, window_bounds = array<i64: 400, 128>}, {pipeline_mode = #tpu.pipeline_mode<synchronous>, transform_indices = @transform_4, window_bounds = array<i64: 128, 128>}, {pipeline_mode = #tpu.pipeline_mode<synchronous>, transform_indices = @transform_5, window_bounds = array<i64: 1, 128>}, {pipeline_mode = #tpu.pipeline_mode<synchronous>, transform_indices = @transform_6, window_bounds = array<i64: 128, 128>}, {transform_indices = @transform_7, window_bounds = array<i64: 400, 128>}, {transform_indices = @transform_8, window_bounds = array<i64: 400, 128>}]} {
    %get3A = arith.constant 0 : index
    %get3A_0 = arith.constant 0 : index
    %get3A_1 = vector.load %arg1[%get3A, %get3A_0] : memref<400x128xf32, #tpu.memory_space<vmem>>, vector<400x128xf32>
    %get3A_2 = arith.constant 0 : index
    %get3A_3 = arith.constant 0 : index
    %get3A_4 = vector.load %arg2[%get3A_2, %get3A_3] : memref<400x128xf32, #tpu.memory_space<vmem>>, vector<400x128xf32>
    %add3A = arith.addf %get3A_1, %get3A_4 : vector<400x128xf32>
    %get3A_5 = arith.constant 0 : index
    %get3A_6 = arith.constant 0 : index
    %get3A_7 = arith.constant 0 : index
    %get3A_8 = vector.load %arg3[%get3A_5, %get3A_6, %get3A_7] : memref<1x1x400xf32, #tpu.memory_space<vmem>>, vector<1x1x400xf32>
    %get3A_9 = vector.shape_cast %get3A_8 : vector<1x1x400xf32> to vector<1x400xf32>
    %broadcast_in_dim3A = arith.constant 1.000000e+00 : f32
    %broadcast_in_dim3A_10 = vector.broadcast %broadcast_in_dim3A : f32 to vector<1x128xf32>
    %dot_general3A = arith.constant dense<0.000000e+00> : vector<400x128xf32>
    %dot_general3A_11 = tpu.matmul %get3A_9, %broadcast_in_dim3A_10, %dot_general3A {dimension_numbers = #tpu.dot_dimension_numbers<[0], [0], [1], [1], [0, 1, 1, 1], [], []>, transpose_lhs_hint = false} : vector<1x400xf32>, vector<1x128xf32>, vector<400x128xf32> -> vector<400x128xf32>
    %max3A = arith.constant 1.000000e+00 : f32
    %max3A_12 = vector.broadcast %max3A : f32 to vector<400x128xf32>
    %max3A_13 = arith.maximumf %dot_general3A_11, %max3A_12 : vector<400x128xf32>
    %div3A = arith.divf %add3A, %max3A_13 : vector<400x128xf32>
    %get3A_14 = arith.constant 0 : index
    %get3A_15 = arith.constant 0 : index
    %get3A_16 = vector.load %arg5[%get3A_14, %get3A_15] : memref<128x128xf32, #tpu.memory_space<vmem>>, vector<128x128xf32>
    %dot_general3A_17 = arith.constant dense<0.000000e+00> : vector<400x128xf32>
    %dot_general3A_18 = tpu.matmul %div3A, %get3A_16, %dot_general3A_17 {dimension_numbers = #tpu.dot_dimension_numbers<[1], [1], [0], [0], [0, 0, 1, 0], [], []>, transpose_lhs_hint = false} : vector<400x128xf32>, vector<128x128xf32>, vector<400x128xf32> -> vector<400x128xf32>
    %get3A_19 = arith.constant 0 : index
    %get3A_20 = arith.constant 0 : index
    %get3A_21 = vector.load %arg4[%get3A_19, %get3A_20] : memref<400x128xf32, #tpu.memory_space<vmem>>, vector<400x128xf32>
    %get3A_22 = arith.constant 0 : index
    %get3A_23 = arith.constant 0 : index
    %get3A_24 = vector.load %arg7[%get3A_22, %get3A_23] : memref<128x128xf32, #tpu.memory_space<vmem>>, vector<128x128xf32>
    %dot_general3A_25 = arith.constant dense<0.000000e+00> : vector<400x128xf32>
    %dot_general3A_26 = tpu.matmul %get3A_21, %get3A_24, %dot_general3A_25 {dimension_numbers = #tpu.dot_dimension_numbers<[1], [1], [0], [0], [0, 0, 1, 0], [], []>, transpose_lhs_hint = false} : vector<400x128xf32>, vector<128x128xf32>, vector<400x128xf32> -> vector<400x128xf32>
    %add3A_27 = arith.addf %dot_general3A_18, %dot_general3A_26 : vector<400x128xf32>
    %get3A_28 = arith.constant 0 : index
    %get3A_29 = arith.constant 0 : index
    %get3A_30 = vector.load %arg6[%get3A_28, %get3A_29] : memref<1x128xf32, #tpu.memory_space<vmem>>, vector<1x128xf32>
    %add3A_31 = vector.broadcast %get3A_30 : vector<1x128xf32> to vector<400x128xf32>
    %add3A_32 = arith.addf %add3A_27, %add3A_31 : vector<400x128xf32>
    %get3A_33 = arith.constant 0 : index
    %get3A_34 = arith.constant 0 : index
    %get3A_35 = vector.load %arg8[%get3A_33, %get3A_34] : memref<400x128xf32, #tpu.memory_space<vmem>>, vector<400x128xf32>
    %add3A_36 = arith.addf %add3A_32, %get3A_35 : vector<400x128xf32>
    %swap3A = arith.constant 0 : index
    %swap3A_37 = arith.constant 0 : index
    %swap3A_38 = vector.load %arg9[%swap3A, %swap3A_37] : memref<400x128xf32, #tpu.memory_space<vmem>>, vector<400x128xf32>
    tpu.vector_store %arg9[%swap3A, %swap3A_37], %add3A_36 {strides = array<i32>} : memref<400x128xf32, #tpu.memory_space<vmem>>, vector<400x128xf32>,
    return
  }
  func.func @transform_0(%arg0: i32) -> (i32, i32) {
    %c0_i32 = arith.constant 0 : i32
    %c0_i32_0 = arith.constant 0 : i32
    return %arg0, %c0_i32 : i32, i32
  }
  func.func @transform_1(%arg0: i32) -> (i32, i32) {
    %c0_i32 = arith.constant 0 : i32
    %c0_i32_0 = arith.constant 0 : i32
    return %arg0, %c0_i32 : i32, i32
  }
  func.func @transform_2(%arg0: i32) -> (i32, i32, i32) {
    %c0_i32 = arith.constant 0 : i32
    %c0_i32_0 = arith.constant 0 : i32
    %c0_i32_1 = arith.constant 0 : i32
    return %arg0, %c0_i32, %c0_i32_0 : i32, i32, i32
  }
  func.func @transform_3(%arg0: i32) -> (i32, i32) {
    %c0_i32 = arith.constant 0 : i32
    %c0_i32_0 = arith.constant 0 : i32
    return %arg0, %c0_i32 : i32, i32
  }
  func.func @transform_4(%arg0: i32) -> (i32, i32) {
    %c0_i32 = arith.constant 0 : i32
    %c0_i32_0 = arith.constant 0 : i32
    %c0_i32_1 = arith.constant 0 : i32
    return %c0_i32, %c0_i32_0 : i32, i32
  }
  func.func @transform_5(%arg0: i32) -> (i32, i32) {
    %c0_i32 = arith.constant 0 : i32
    %c0_i32_0 = arith.constant 0 : i32
    %c0_i32_1 = arith.constant 0 : i32
    return %c0_i32, %c0_i32_0 : i32, i32
  }
  func.func @transform_6(%arg0: i32) -> (i32, i32) {
    %c0_i32 = arith.constant 0 : i32
    %c0_i32_0 = arith.constant 0 : i32
    %c0_i32_1 = arith.constant 0 : i32
    return %c0_i32, %c0_i32_0 : i32, i32
  }
  func.func @transform_7(%arg0: i32) -> (i32, i32) {
    %c0_i32 = arith.constant 0 : i32
    %c0_i32_0 = arith.constant 0 : i32
    return %arg0, %c0_i32 : i32, i32
  }
  func.func @transform_8(%arg0: i32) -> (i32, i32) {
    %c0_i32 = arith.constant 0 : i32
    %c0_i32_0 = arith.constant 0 : i32
    return %arg0, %c0_i32 : i32, i32
  }
}

</mosaic_0001>

<sc_bundles>
// kernel: kernel.10.cloned.1.call-start
scs
__scs_entry_jumppad:
0x0: {  	(pc) =	sbr.rel $0x88, $3  }
0x1: {  	(tag) =	ssettag $0x0;
	lr =	simm.s32 $0x1  }
0x2: {  	[smem:$0x3F99] =	sst lr;
	_ =	strace $0xD0000000  }
0x3: {  	_ = 	snop  }
0x4: {  	_ = 	snop  }
0x5: {  	_ = 	snop  }
0x6: {  	_ = 	snop  }
0x7: {  	_ = 	snop  }
__scs_overlays_trampoline_lowered:
0x8: {  	[smem:$0x3FA8] =	sst s0  }
0x9: {  	[smem:$0x3FA9] =	sst s1  }
0xa: {  	[smem:$0x3FAA] =	sst s2  }
0xb: {  	[smem:$0x3FAB] =	sst s3  }
0xc: {  	[smem:$0x3FAC] =	sst s4  }
0xd: {  	[smem:$0x3FAD] =	sst s5  }
0xe: {  	[smem:$0x3FAE] =	sst s6  }
0xf: {  	[smem:$0x3FAF] =	sst s7  }
0x10: {  	[smem:$0x3FB0] =	sst s8  }
0x11: {  	[smem:$0x3FB1] =	sst s9;
	s0 =	simm.s32 @!p0 $0x0  }
0x12: {  	s1 =	sld [smem:$0x3F97];
	s0 =	simm.s32 @p0 $0x1  }
0x13: {  	[smem:$0x3FB2] =	sst s0;
	s0 =	simm.s32 @!p1 $0x0  }
0x14: {  	s2 =	sld [smem:$0x3F96];
	s0 =	simm.s32 @p1 $0x1  }
0x15: {  	[smem:$0x3FB3] =	sst s0;
	s0 =	simm.s32 @!p2 $0x0  }
0x16: {  	s3 =	sld [smem:$0x3FDB];
	s0 =	simm.s32 @p2 $0x1  }
0x17: {  	s4 =	simm.s32 $0x1BF5;
	[smem:$0x3FB5] =	sst s0  }
0x18: {  	s0 =	sld [smem:$0x3F98];
	_ =	swait.ge [sflag:s4], $0x0  }
0x19: {  	s7 =	sld [smem:$0x3F99]  }
0x1a: {  	s8 =	sadd.s32 $0xFFFFE003, lr  }
0x1b: {  	s9 =	sadd.s32 $0xFFFFFEF7, lr;
	s5 =	simm.s32 $0xFFFFFFFF;
	p2 =	slt.u32 s8, $0xFFFFF086  }
0x1c: {  	p1 =	slt.u32 s9, $0xF7A;
	s5 =	simm.s32 @!p2 $0x0  }
0x1d: {  	s5 =	simm.s32 @p1 $0x1;
	p0 =	seq.s32 s7, s2  }
0x1e: {  	s7 =	smul.u32 @!p0 $0xF7A, s2;
	p2 =	seq.s32 @!p0 s5, $0x0  }
0x1f: {  	s9 =	smul.u32 $0xF7A, s1;
	s8 =	simm.s32 @!p0 $0x1BF5;
	p2 =	por !p2, p0  }
0x20: {  	[sflag:s8] =	ssyncset.s32 @!p0 $0xFFFFF086;
	s6 =	sadd.s32 @!p0 s3, s7;
	s7 =	simm.s32 @!p0 $0x108  }
0x21: {  	s3 =	sadd.s32 s3, s9;
	s6 =	sadd.s32 @!p0 $0x88, s6;
	s7 =	simm.s32 @p2 $0x1082  }
0x22: {  	[simem:s7], [sflag:s8] =	dma.local @!p0 [hbm:s6], $0xF7A  }
0x23: {  	s9 =	sor.u32 $0xD0000000, s2;
	s6 =	simm.s32 $0x108;
	_ =	swait.ge @!p0 [sflag:s8], $0x0  }
0x24: {  	s3 =	sadd.s32 $0x88, s3;
	s6 =	simm.s32 @!p1 $0x1082;
	[sflag:s4] =	ssyncset.s32 $0xFFFFF086  }
0x25: {  	[simem:s6], [sflag:s4] =	dma.local [hbm:s3], $0xF7A  }
0x26: {  	[smem:$0x3F99] =	sst s1;
	(tag) =	ssettag s2;
	_ =	strace s9  }
0x27: {  	s1 =	sld [smem:$0x3FA9]  }
0x28: {  	s2 =	sld [smem:$0x3FAA]  }
0x29: {  	s4 =	sld [smem:$0x3FAC]  }
0x2a: {  	p0 =	seq.s32 s5, $0x0;
	s5 =	sld [smem:$0x3FAD]  }
0x2b: {  	s6 =	sld [smem:$0x3FAE]  }
0x2c: {  	s7 =	sld [smem:$0x3FAF]  }
0x2d: {  	s3 =	simm.s32 $0x108;
	s8 =	sld [smem:$0x3FB0]  }
0x2e: {  	s3 =	simm.s32 @!p0 $0x1082;
	s9 =	sld [smem:$0x3FB1]  }
0x2f: {  	lr =	sadd.s32 s0, s3;
	s0 =	sld [smem:$0x3FA8]  }
0x30: {  	s3 =	sld [smem:$0x3FAB]  }
0x31: {  	[smem:$0x3FB4] =	sst s10  }
0x32: {  	s10 =	sld [smem:$0x3FB2];
	_ =	sdelay $0x3  }
0x33: {  	p0 =	seq.s32 s10, $0x1;
	s10 =	sld [smem:$0x3FB4];
	_ =	sdelay $0x3  }
0x34: {  	[smem:$0x3FB4] =	sst s10  }
0x35: {  	s10 =	sld [smem:$0x3FB3];
	_ =	sdelay $0x3  }
0x36: {  	p1 =	seq.s32 s10, $0x1;
	s10 =	sld [smem:$0x3FB4];
	_ =	sdelay $0x3  }
0x37: {  	[smem:$0x3FB4] =	sst s10  }
0x38: {  	s10 =	sld [smem:$0x3FB5]  }
0x39: {  	_ = 	snop;
	(pc) =	sbr.ind lr, $3  }
0x3a: {  	_ = 	snop  }
0x3b: {  	_ = 	snop  }
0x3c: {  	p2 =	seq.s32 s10, $0x1;
	s10 =	sld [smem:$0x3FB4]  }
0x3d: {  	_ =	shalt  }
0x3e: {  	_ =	shalt  }
0x3f: {  	_ =	shalt  }
0x40: {  	_ =	shalt  }
0x41: {  	_ =	shalt  }
0x42: {  	_ =	shalt  }
0x43: {  	_ =	shalt  }
0x44: {  	_ =	shalt  }
0x45: {  	_ =	shalt  }
0x46: {  	_ =	shalt  }
0x47: {  	_ =	shalt  }
0x48: {  	_ =	shalt  }
0x49: {  	_ =	shalt  }
0x4a: {  	_ =	shalt  }
0x4b: {  	_ =	shalt  }
0x4c: {  	_ =	shalt  }
0x4d: {  	_ =	shalt  }
0x4e: {  	_ =	shalt  }
0x4f: {  	_ =	shalt  }
0x50: {  	_ =	shalt  }
0x51: {  	_ =	shalt  }
0x52: {  	_ =	shalt  }
0x53: {  	_ =	shalt  }
0x54: {  	_ =	shalt  }
0x55: {  	_ =	shalt  }
0x56: {  	_ =	shalt  }
0x57: {  	_ =	shalt  }
0x58: {  	_ =	shalt  }
0x59: {  	_ =	shalt  }
0x5a: {  	_ =	shalt  }
0x5b: {  	_ =	shalt  }
0x5c: {  	_ =	shalt  }
0x5d: {  	_ =	shalt  }
0x5e: {  	_ =	shalt  }
0x5f: {  	_ =	shalt  }
0x60: {  	_ =	shalt  }
0x61: {  	_ =	shalt  }
0x62: {  	_ =	shalt  }
0x63: {  	_ =	shalt  }
0x64: {  	_ =	shalt  }
0x65: {  	_ =	shalt  }
0x66: {  	_ =	shalt  }
0x67: {  	_ =	shalt  }
0x68: {  	_ =	shalt  }
0x69: {  	_ =	shalt  }
0x6a: {  	_ =	shalt  }
0x6b: {  	_ =	shalt  }
0x6c: {  	_ =	shalt  }
0x6d: {  	_ =	shalt  }
0x6e: {  	_ =	shalt  }
0x6f: {  	_ =	shalt  }
0x70: {  	_ =	shalt  }
0x71: {  	_ =	shalt  }
0x72: {  	_ =	shalt  }
0x73: {  	_ =	shalt  }
0x74: {  	_ =	shalt  }
0x75: {  	_ =	shalt  }
0x76: {  	_ =	shalt  }
0x77: {  	_ =	shalt  }
0x78: {  	_ =	shalt  }
0x79: {  	_ =	shalt  }
0x7a: {  	_ =	shalt  }
0x7b: {  	_ =	shalt  }
0x7c: {  	_ =	shalt  }
0x7d: {  	_ =	shalt  }
0x7e: {  	_ =	shalt  }
0x7f: {  	_ =	shalt  }
0x80: {  	_ =	shalt  }
0x81: {  	_ =	shalt  }
0x82: {  	_ =	shalt  }
0x83: {  	_ =	shalt  }
0x84: {  	_ =	shalt  }
0x85: {  	_ =	shalt  }
0x86: {  	_ =	shalt  }
0x87: {  	_ =	shalt  }
.Lfunc_end0:
.L_simem_size_0:
called_computation.1_lowered:
.L_overlay_start_0:
0x88: {  	s2 =	sld [smem:$0x3FD9]  }
0x89: {  	s3 =	sld [smem:$0x3FFE];
	_ =	sdelay $0x1  }
0x8a: {  	s1 =	srdreg.scid  }
0x8b: {  	s0 =	sand.u32 $0x1, s1  }
0x8c: {  	s17 =	sshll.u32 s0, $0xA;
	s2 =	sadd.s32 s3, s2  }
0x8d: {  	s2 =	sadd.s32 s2, s17  }
0x8e: {  	[smem:$0x3FC0] =	sst s2  }
0x8f: {  	_ = 	snop  }
0x90: {  	s2 =	sld [smem:$0x3FD0];
	(tm) =	ssettm $0x1  }
0x91: {  	s18 =	sld [smem:$0x3FFB];
	_ =	sdelay $0x3  }
0x92: {  	_ =	strace s18  }
0x93: {  	s3 =	sld [smem:$0x3FFC];
	_ =	sdelay $0x3  }
0x94: {  	_ =	strace s3  }
0x95: {  	s3 =	sld [smem:$0x3FFD];
	_ =	sdelay $0x3  }
0x96: {  	_ =	strace s3  }
0x97: {  	_ =	strace $0x8FFFFFFF  }
0x98: {  	s19 =	sld [smem:$0x3FDB];
	_ =	sdelay $0x1  }
0x99: {  	s4 =	simm.s32 $_scs_section_size  }
0x9a: {  	s5 =	simm.s32 $_size__tile_overlayer_lowered;
	s6 =	simm.s32 $_tile_overlayer_lowered  }
0x9b: {  	s22 =	simm.s32 $0x1BFF;
	s21 =	sshll.u32 s6, $0x1;
	s3 =	sadd.s32 s4, s19  }
0x9c: {  	s7 =	simm.s32 $0x0;
	s20 =	sshll.u32 s5, $0x1;
	s5 =	sadd.s32 s21, s3  }
0x9d: {  	[timem:s7], [sflag:s22] =	dma.local [hbm:s5], s20  }
0x9e: {  	_ =	swait.ge [sflag:s22], s20  }
0x9f: {  	s4 =	ssub.s32 $0x0, s20;
	[sflag:s22] =	ssyncset.done $0x0  }
0xa0: {  	[sflag:s22] =	ssyncadd.s32 s4;
	_ =	sdelay $0x1  }
0xa1: {  	s23 =	simm.s32 $0x1B8B  }
0xa2: {  	_ =	swait.ge [sflag:s23], $0x1  }
0xa3: {  	[sflag:s23] =	ssyncset.done $0x0  }
0xa4: {  	s25 =	simm.s32 $0x1B8E;
	s24 =	sld [smem:$0x3FFE];
	[sflag:s23] =	ssyncadd.s32 $0xFFFFFFFF  }
0xa5: {  	s26 =	simm.s32 $execute0_lowered;
	[smem:$0x3FD2] =	sst s25  }
0xa6: {  	s5 =	sshll.u32 s26, $0x1;
	_ =	strace $0x80000049;
	[dreg:$0x1] =	wrdreg $0xFFFFFFFF  }
0xa7: {  	s28 =	simm.s32 $_size_execute0_lowered;
	s3 =	sadd.s32 s3, s5;
	[dreg:$0x0] =	wrdreg $0x0  }
0xa8: {  	s5 =	sshll.u32 s28, $0x1;
	[dreg:$0x2] =	wrdreg s3  }
0xa9: {  	[dreg:$0x3] =	wrdreg s5  }
0xaa: {  	[dreg:$0x4] =	wrdreg $0xC0  }
0xab: {  	_ =	task [dreg:s7], $0x5FFFF  }
0xac: {  	[dreg:$0x1] =	wrdreg $0xFFFFFFFF  }
0xad: {  	[dreg:$0x0] =	wrdreg $0x60  }
0xae: {  	[dreg:$0x2] =	wrdreg s2  }
0xaf: {  	[dreg:$0x3] =	wrdreg s24  }
0xb0: {  	[dreg:$0x4] =	wrdreg $0x88000  }
0xb1: {  	[dreg:$0x5] =	wrdreg $0x9  }
0xb2: {  	_ =	task.clear_ibuf [dreg:s7], $0x6FFFF;
	_ =	strace $0x90000049  }
0xb3: {  	s29 =	simm.s32 $0x9;
	_ =	strace $0x8000004B  }
0xb4: {  	_ =	swait.ge [sflag:s29], $0x1  }
0xb5: {  	[sflag:s29] =	ssyncadd.s32 $0xFFFFFFFF  }
0xb6: {  	_ =	strace $0x9000004B  }
0xb7: {  	_ =	sfence  }
0xb8: {  	s30 =	sld [smem:$0x0];
	_ =	sdelay $0x2  }
0xb9: {  	s31 =	sshll.u32 s1, $0xD;
	s1 =	sshrl.u32 s1, $0x2  }
0xba: {  	s3 =	sand.u32 $0x4000, s31;
	s1 =	sadd.s32 s1, s30  }
0xbb: {  	s0 =	sor.u32 s3, s0;
	s1 =	sshll.u32 s1, $0x11  }
0xbc: {  	s0 =	sor.u32 s1, s0  }
0xbd: {  	s0 =	sadd.s32 $0x8F2B, s0  }
0xbe: {  	[sflag:s0] =	ssyncadd.remote.s32 $0x1  }
0xbf: {  	_ =	sfence.sel $0xFFFF  }
0xc0: {  	[dreg:$0x0] =	wrdreg $0xFFFFFFFF;
	(pc) =	sbr.abs _section_cstart, $3  }
0xc1: {  	[dreg:$0x1] =	wrdreg $0xFFFFFFFF  }
0xc2: {  	_ =	task.clear_ibuf [dreg:s7], $0x2FFFF;
	_ =	strace $0x9FFFFFFF  }
0xc3: {  	(tm) =	ssettm $0x7FFFFFFF  }
tec
execute0_lowered:
.L_overlay_start_1:
0x0: {  	(tag) =	ssettag $0x1  }
0x1: {  	s2 =	rddreg [dreg:$0x0]  }
0x2: {  	s0 =	rddreg [dreg:$0x1]  }
0x3: {  	s3 =	rddreg [dreg:$0x2]  }
0x4: {  	s11 =	stileid.u32;
	s5 =	srdreg.scid;
	s4 =	simm.s32 $0x0  }
0x5: {  	s12 =	simm.s32 $0x400;
	s13 =	simm.s32 $0x80;
	s14 =	simm.s32 $0x800  }
0x6: {  	s15 =	simm.s32 $0x1;
	s16 =	simm.s32 $0x4800;
	s17 =	simm.s32 $0x2  }
0x7: {  	s18 =	simm.s32 $0x480;
	s19 =	simm.s32 $0x3;
	s20 =	simm.s32 $0x100  }
0x8: {  	s21 =	simm.s32 $0x500;
	s28 =	simm.s32 $0x280;
	s29 =	simm.s32 $0x680  }
0x9: {  	s30 =	simm.s32 $0x300;
	s31 =	simm.s32 $0x700;
	s1 =	smul.u32 $0xA00, s11  }
0xa: {  	s6 =	smul.u32 $0x13C00, s11;
	s5 =	sand.u32 $0x1, s5;
	[smem:$0x7FF] =	sst s4  }
0xb: {  	s22 =	smul.u32 $0x4F000, s11;
	s24 =	sshll.u32 s11, $0x6;
	s11 =	simm.s32 $0x5  }
0xc: {  	s7 =	smul.u32 $0x13C000, s5;
	_ =	strace $0x8000004A;
	s9 =	ssub.s32 $0x2, s5  }
0xd: {  	s5 =	smul.u32 $0x500, s5;
	s1 =	sadd.s32 s1, s0;
	s8 =	sshrl.u32 s6, $0x3  }
0xe: {  	s10 =	sshrl.u32 s9, $0x1;
	s6 =	sadd.s32 s6, s7;
	s8 =	sadd.s32 s8, s0  }
0xf: {  	s7 =	sshrl.u32 s22, $0x2;
	s23 =	ssub.s32 s9, s10;
	s1 =	sadd.s32 s5, s1  }
0x10: {  	s22 =	simm.s32 $0x4;
	s6 =	sshrl.u32 s6, $0x3;
	s7 =	sadd.s32 s7, s3  }
0x11: {  	s8 =	sadd.s32 $0x15E00, s8;
	s25 =	sadd.s32 $0x1E00, s1;
	s26 =	smax.u32 s23, $0x1  }
0x12: {  	s9 =	sadd.s32 $0xBE00, s1;
	s23 =	simm.s32 $0x180;
	[dreg:$0x5] =	wrdreg s8  }
0x13: {  	s1 =	simm.s32 $0x780;
	s0 =	sadd.s32 s6, s0;
	[dreg:$0x8] =	wrdreg s26  }
0x14: {  	s8 =	sor.u32 $0x1C05, s24;
	[dreg:$0x4] =	wrdreg s25;
	s6 =	sshrl.u32 s7, $0x3  }
0x15: {  	s24 =	simm.s32 $0x580;
	s25 =	simm.s32 $0x200;
	[dreg:$0x6] =	wrdreg s8  }
0x16: {  	s26 =	simm.s32 $0x600;
	s0 =	sadd.s32 $0x3D600, s0;
	[dreg:$0x9] =	wrdreg s6  }
0x17: {  	s7 =	simm.s32 $0x0;
	[dreg:$0x7] =	wrdreg s0;
	s0 =	simm.s32 $0x380  }
.LBB2_1:
0x18: {  	[dreg:$0xa] =	wrdreg s7  }
0x19: {  	s5 =	rddreg [dreg:$0x5]  }
0x1a: {  	[spmem:s6], [sflag:s8] =	dma.local [hbm:s5], $0x2780  }
0x1b: {  	_ =	swait.ge [sflag:s11], $0x2780  }
0x1c: {  	[sflag:s11] =	ssyncset.done $0x0  }
0x1d: {  	[sflag:s11] =	ssyncadd.s32 $0xFFFFD880  }
0x1e: {  	s8 =	sadd.s32 $0x0, s9;
	[bflag:$0x0] =	sbarrier.arrive $0xFFFF  }
0x1f: {  	[tilespmem:s4], [sflag:$0x5] =	stream.linear.gather [hbm4b:s8+s4], $0x400, $0x38;
	[tilespmem:$0x1C400] =	vst v63  }
0x20: {  	_ =	swait.ge [sflag:s11], $0x400  }
0x21: {  	s10 =	rddreg [dreg:$0x4];
	[sflag:s11] =	ssyncset.done $0x0  }
0x22: {  	[sflag:s11] =	ssyncadd.s32 $0xFFFFFC00;
	s6 =	sadd.s32 $0x0, s10  }
0x23: {  	[tilespmem:s12], [sflag:$0x5] =	stream.linear.gather [hbm4b:s6+s4], $0x400, $0x38;
	[tilespmem:$0x1C400] =	vst v63  }
0x24: {  	_ =	swait.ge [sflag:s11], $0x400  }
0x25: {  	[sflag:s11] =	ssyncset.done $0x0  }
0x26: {  	[sflag:s11] =	ssyncadd.s32 $0xFFFFFC00  }
0x27: {  	[tilespmem:s14], [sflag:$0x1] =	stream.indirect.gather [hbm4b:s2+s13], $0x80, s4, s13, $0xb8;
	[tilespmem:$0x1C400] =	vst v63  }
0x28: {  	_ =	swait.ge [sflag:s15], $0x4000  }
0x29: {  	[sflag:s15] =	ssyncset.done $0x0  }
0x2a: {  	[sflag:s15] =	ssyncadd.s32 $0xFFFFC000  }
0x2b: {  	[spmem:s3] =	stream.indirect.scatter.add.f32 [tilespmem:s14], [sflag:$0x3], $0x80, s12, s13, $0xb8;
	[tilespmem:$0x1C400] =	vst v63  }
0x2c: {  	_ = 	snop  }
0x2d: {  	[tilespmem:s16], [sflag:$0x2] =	stream.indirect.gather [hbm4b:s2+s13], $0x80, s13, s13, $0xb8;
	[tilespmem:$0x1C400] =	vst v63  }
0x2e: {  	_ =	swait.ge [sflag:s17], $0x4000  }
0x2f: {  	[sflag:s17] =	ssyncset.done $0x0  }
0x30: {  	[sflag:s17] =	ssyncadd.s32 $0xFFFFC000  }
0x31: {  	[spmem:s3] =	stream.indirect.scatter.add.f32 [tilespmem:s16], [sflag:$0x4], $0x80, s18, s13, $0xb8;
	[tilespmem:$0x1C400] =	vst v63  }
0x32: {  	_ =	swait.ge [sflag:s19], $0x4000  }
0x33: {  	[sflag:s19] =	ssyncset.done $0x0  }
0x34: {  	[sflag:s19] =	ssyncadd.s32 $0xFFFFC000  }
0x35: {  	[tilespmem:s14], [sflag:$0x1] =	stream.indirect.gather [hbm4b:s2+s13], $0x80, s20, s13, $0xb8;
	[tilespmem:$0x1C400] =	vst v63  }
0x36: {  	_ =	swait.ge [sflag:s15], $0x4000  }
0x37: {  	[sflag:s15] =	ssyncset.done $0x0  }
0x38: {  	[sflag:s15] =	ssyncadd.s32 $0xFFFFC000  }
0x39: {  	[spmem:s3] =	stream.indirect.scatter.add.f32 [tilespmem:s14], [sflag:$0x3], $0x80, s21, s13, $0xb8;
	[tilespmem:$0x1C400] =	vst v63  }
0x3a: {  	_ =	swait.ge [sflag:s22], $0x4000  }
0x3b: {  	[sflag:s22] =	ssyncset.done $0x0  }
0x3c: {  	[sflag:s22] =	ssyncadd.s32 $0xFFFFC000  }
0x3d: {  	[tilespmem:s16], [sflag:$0x2] =	stream.indirect.gather [hbm4b:s2+s13], $0x80, s23, s13, $0xb8;
	[tilespmem:$0x1C400] =	vst v63  }
0x3e: {  	_ =	swait.ge [sflag:s17], $0x4000  }
0x3f: {  	[sflag:s17] =	ssyncset.done $0x0  }
0x40: {  	[sflag:s17] =	ssyncadd.s32 $0xFFFFC000  }
0x41: {  	[spmem:s3] =	stream.indirect.scatter.add.f32 [tilespmem:s16], [sflag:$0x4], $0x80, s24, s13, $0xb8;
	[tilespmem:$0x1C400] =	vst v63  }
0x42: {  	_ =	swait.ge [sflag:s19], $0x4000  }
0x43: {  	[sflag:s19] =	ssyncset.done $0x0  }
0x44: {  	[sflag:s19] =	ssyncadd.s32 $0xFFFFC000  }
0x45: {  	[tilespmem:s14], [sflag:$0x1] =	stream.indirect.gather [hbm4b:s2+s13], $0x80, s25, s13, $0xb8;
	[tilespmem:$0x1C400] =	vst v63  }
0x46: {  	_ =	swait.ge [sflag:s15], $0x4000  }
0x47: {  	[sflag:s15] =	ssyncset.done $0x0  }
0x48: {  	[sflag:s15] =	ssyncadd.s32 $0xFFFFC000  }
0x49: {  	[spmem:s3] =	stream.indirect.scatter.add.f32 [tilespmem:s14], [sflag:$0x3], $0x80, s26, s13, $0xb8;
	[tilespmem:$0x1C400] =	vst v63  }
0x4a: {  	_ =	swait.ge [sflag:s22], $0x4000  }
0x4b: {  	[sflag:s22] =	ssyncset.done $0x0  }
0x4c: {  	[sflag:s22] =	ssyncadd.s32 $0xFFFFC000  }
0x4d: {  	[tilespmem:s16], [sflag:$0x2] =	stream.indirect.gather [hbm4b:s2+s13], $0x80, s28, s13, $0xb8;
	[tilespmem:$0x1C400] =	vst v63  }
0x4e: {  	_ =	swait.ge [sflag:s17], $0x4000  }
0x4f: {  	[sflag:s17] =	ssyncset.done $0x0  }
0x50: {  	[sflag:s17] =	ssyncadd.s32 $0xFFFFC000  }
0x51: {  	[spmem:s3] =	stream.indirect.scatter.add.f32 [tilespmem:s16], [sflag:$0x4], $0x80, s29, s13, $0xb8;
	[tilespmem:$0x1C400] =	vst v63  }
0x52: {  	_ =	swait.ge [sflag:s19], $0x4000  }
0x53: {  	[sflag:s19] =	ssyncset.done $0x0  }
0x54: {  	[sflag:s19] =	ssyncadd.s32 $0xFFFFC000  }
0x55: {  	[tilespmem:s14], [sflag:$0x1] =	stream.indirect.gather [hbm4b:s2+s13], $0x80, s30, s13, $0xb8;
	[tilespmem:$0x1C400] =	vst v63  }
0x56: {  	_ =	swait.ge [sflag:s15], $0x4000  }
0x57: {  	[sflag:s15] =	ssyncset.done $0x0  }
0x58: {  	[sflag:s15] =	ssyncadd.s32 $0xFFFFC000  }
0x59: {  	[spmem:s3] =	stream.indirect.scatter.add.f32 [tilespmem:s14], [sflag:$0x3], $0x80, s31, s13, $0xb8;
	[tilespmem:$0x1C400] =	vst v63  }
0x5a: {  	_ =	swait.ge [sflag:s22], $0x4000  }
0x5b: {  	[sflag:s22] =	ssyncset.done $0x0  }
0x5c: {  	[sflag:s22] =	ssyncadd.s32 $0xFFFFC000  }
0x5d: {  	[tilespmem:s16], [sflag:$0x2] =	stream.indirect.gather [hbm4b:s2+s13], $0x80, s0, s13, $0xb8;
	[tilespmem:$0x1C400] =	vst v63  }
0x5e: {  	_ =	swait.ge [sflag:s17], $0x4000  }
0x5f: {  	[sflag:s17] =	ssyncset.done $0x0  }
0x60: {  	[sflag:s17] =	ssyncadd.s32 $0xFFFFC000  }
0x61: {  	[spmem:s3] =	stream.indirect.scatter.add.f32 [tilespmem:s16], [sflag:$0x4], $0x80, s1, s13, $0xb8;
	[tilespmem:$0x1C400] =	vst v63  }
0x62: {  	_ =	swait.ge [sflag:s19], $0x4000  }
0x63: {  	[sflag:s19] =	ssyncset.done $0x0  }
0x64: {  	[sflag:s19] =	ssyncadd.s32 $0xFFFFC000  }
0x65: {  	_ =	swait.ge [sflag:s22], $0x4000  }
0x66: {  	s7 =	simm.s32 $0x80;
	s8 =	simm.s32 $0x100;
	[sflag:s22] =	ssyncset.done $0x0  }
.LBB2_2:
0x67: {  	s10 =	sadd.s32 s7, s9;
	[sflag:s22] =	ssyncadd.s32 $0xFFFFC000  }
0x68: {  	[tilespmem:s4], [sflag:$0x5] =	stream.linear.gather [hbm4b:s10+s4], $0x400, $0x38;
	[tilespmem:$0x1C400] =	vst v63  }
0x69: {  	s5 =	smov.u32 s8;
	_ =	swait.ge [sflag:s11], $0x400  }
0x6a: {  	s6 =	sadd.s32 $0x80, s8;
	s10 =	rddreg [dreg:$0x4];
	[sflag:s11] =	ssyncset.done $0x0  }
0x6b: {  	p0 =	sne.s32 s8, $0x480;
	[sflag:s11] =	ssyncadd.s32 $0xFFFFFC00;
	s8 =	sadd.s32 s7, s10  }
0x6c: {  	[tilespmem:s12], [sflag:$0x5] =	stream.linear.gather [hbm4b:s8+s4], $0x400, $0x38;
	[tilespmem:$0x1C400] =	vst v63  }
0x6d: {  	_ =	swait.ge [sflag:s11], $0x400  }
0x6e: {  	[sflag:s11] =	ssyncset.done $0x0  }
0x6f: {  	[sflag:s11] =	ssyncadd.s32 $0xFFFFFC00  }
0x70: {  	[tilespmem:s14], [sflag:$0x1] =	stream.indirect.gather [hbm4b:s2+s13], $0x80, s4, s13, $0xb8;
	[tilespmem:$0x1C400] =	vst v63  }
0x71: {  	_ =	swait.ge [sflag:s15], $0x4000  }
0x72: {  	[sflag:s15] =	ssyncset.done $0x0  }
0x73: {  	[sflag:s15] =	ssyncadd.s32 $0xFFFFC000  }
0x74: {  	[spmem:s3] =	stream.indirect.scatter.add.f32 [tilespmem:s14], [sflag:$0x3], $0x80, s12, s13, $0xb8;
	[tilespmem:$0x1C400] =	vst v63  }
0x75: {  	_ = 	snop  }
0x76: {  	[tilespmem:s16], [sflag:$0x2] =	stream.indirect.gather [hbm4b:s2+s13], $0x80, s13, s13, $0xb8;
	[tilespmem:$0x1C400] =	vst v63  }
0x77: {  	_ =	swait.ge [sflag:s17], $0x4000  }
0x78: {  	[sflag:s17] =	ssyncset.done $0x0  }
0x79: {  	[sflag:s17] =	ssyncadd.s32 $0xFFFFC000  }
0x7a: {  	[spmem:s3] =	stream.indirect.scatter.add.f32 [tilespmem:s16], [sflag:$0x4], $0x80, s18, s13, $0xb8;
	[tilespmem:$0x1C400] =	vst v63  }
0x7b: {  	_ =	swait.ge [sflag:s19], $0x4000  }
0x7c: {  	[sflag:s19] =	ssyncset.done $0x0  }
0x7d: {  	[sflag:s19] =	ssyncadd.s32 $0xFFFFC000  }
0x7e: {  	[tilespmem:s14], [sflag:$0x1] =	stream.indirect.gather [hbm4b:s2+s13], $0x80, s20, s13, $0xb8;
	[tilespmem:$0x1C400] =	vst v63  }
0x7f: {  	_ =	swait.ge [sflag:s15], $0x4000  }
0x80: {  	[sflag:s15] =	ssyncset.done $0x0  }
0x81: {  	[sflag:s15] =	ssyncadd.s32 $0xFFFFC000  }
0x82: {  	[spmem:s3] =	stream.indirect.scatter.add.f32 [tilespmem:s14], [sflag:$0x3], $0x80, s21, s13, $0xb8;
	[tilespmem:$0x1C400] =	vst v63  }
0x83: {  	_ =	swait.ge [sflag:s22], $0x4000  }
0x84: {  	[sflag:s22] =	ssyncset.done $0x0  }
0x85: {  	[sflag:s22] =	ssyncadd.s32 $0xFFFFC000  }
0x86: {  	[tilespmem:s16], [sflag:$0x2] =	stream.indirect.gather [hbm4b:s2+s13], $0x80, s23, s13, $0xb8;
	[tilespmem:$0x1C400] =	vst v63  }
0x87: {  	_ =	swait.ge [sflag:s17], $0x4000  }
0x88: {  	[sflag:s17] =	ssyncset.done $0x0  }
0x89: {  	[sflag:s17] =	ssyncadd.s32 $0xFFFFC000  }
0x8a: {  	[spmem:s3] =	stream.indirect.scatter.add.f32 [tilespmem:s16], [sflag:$0x4], $0x80, s24, s13, $0xb8;
	[tilespmem:$0x1C400] =	vst v63  }
0x8b: {  	_ =	swait.ge [sflag:s19], $0x4000  }
0x8c: {  	[sflag:s19] =	ssyncset.done $0x0  }
0x8d: {  	[sflag:s19] =	ssyncadd.s32 $0xFFFFC000  }
0x8e: {  	[tilespmem:s14], [sflag:$0x1] =	stream.indirect.gather [hbm4b:s2+s13], $0x80, s25, s13, $0xb8;
	[tilespmem:$0x1C400] =	vst v63  }
0x8f: {  	_ =	swait.ge [sflag:s15], $0x4000  }
0x90: {  	[sflag:s15] =	ssyncset.done $0x0  }
0x91: {  	[sflag:s15] =	ssyncadd.s32 $0xFFFFC000  }
0x92: {  	[spmem:s3] =	stream.indirect.scatter.add.f32 [tilespmem:s14], [sflag:$0x3], $0x80, s26, s13, $0xb8;
	[tilespmem:$0x1C400] =	vst v63  }
0x93: {  	_ =	swait.ge [sflag:s22], $0x4000  }
0x94: {  	[sflag:s22] =	ssyncset.done $0x0  }
0x95: {  	[sflag:s22] =	ssyncadd.s32 $0xFFFFC000  }
0x96: {  	[tilespmem:s16], [sflag:$0x2] =	stream.indirect.gather [hbm4b:s2+s13], $0x80, s28, s13, $0xb8;
	[tilespmem:$0x1C400] =	vst v63  }
0x97: {  	_ =	swait.ge [sflag:s17], $0x4000  }
0x98: {  	[sflag:s17] =	ssyncset.done $0x0  }
0x99: {  	[sflag:s17] =	ssyncadd.s32 $0xFFFFC000  }
0x9a: {  	[spmem:s3] =	stream.indirect.scatter.add.f32 [tilespmem:s16], [sflag:$0x4], $0x80, s29, s13, $0xb8;
	[tilespmem:$0x1C400] =	vst v63  }
0x9b: {  	_ =	swait.ge [sflag:s19], $0x4000  }
0x9c: {  	[sflag:s19] =	ssyncset.done $0x0  }
0x9d: {  	[sflag:s19] =	ssyncadd.s32 $0xFFFFC000  }
0x9e: {  	[tilespmem:s14], [sflag:$0x1] =	stream.indirect.gather [hbm4b:s2+s13], $0x80, s30, s13, $0xb8;
	[tilespmem:$0x1C400] =	vst v63  }
0x9f: {  	_ =	swait.ge [sflag:s15], $0x4000  }
0xa0: {  	[sflag:s15] =	ssyncset.done $0x0  }
0xa1: {  	[sflag:s15] =	ssyncadd.s32 $0xFFFFC000  }
0xa2: {  	[spmem:s3] =	stream.indirect.scatter.add.f32 [tilespmem:s14], [sflag:$0x3], $0x80, s31, s13, $0xb8;
	[tilespmem:$0x1C400] =	vst v63  }
0xa3: {  	_ =	swait.ge [sflag:s22], $0x4000  }
0xa4: {  	[sflag:s22] =	ssyncset.done $0x0  }
0xa5: {  	[sflag:s22] =	ssyncadd.s32 $0xFFFFC000  }
0xa6: {  	[tilespmem:s16], [sflag:$0x2] =	stream.indirect.gather [hbm4b:s2+s13], $0x80, s0, s13, $0xb8;
	[tilespmem:$0x1C400] =	vst v63  }
0xa7: {  	_ =	swait.ge [sflag:s17], $0x4000  }
0xa8: {  	[sflag:s17] =	ssyncset.done $0x0  }
0xa9: {  	[sflag:s17] =	ssyncadd.s32 $0xFFFFC000  }
0xaa: {  	[spmem:s3] =	stream.indirect.scatter.add.f32 [tilespmem:s16], [sflag:$0x4], $0x80, s1, s13, $0xb8;
	[tilespmem:$0x1C400] =	vst v63  }
.Ltmp0:
0xab: {  	_ =	swait.ge [sflag:s19], $0x4000;
	(pc) =	sbr.rel @p0 .LBB2_2-.Ltmp0, $4  }
0xac: {  	[sflag:s19] =	ssyncset.done $0x0  }
0xad: {  	[sflag:s19] =	ssyncadd.s32 $0xFFFFC000  }
0xae: {  	_ =	swait.ge [sflag:s22], $0x4000  }
0xaf: {  	s7 =	smov.u32 s5;
	s8 =	smov.u32 s6;
	[sflag:s22] =	ssyncset.done $0x0  }
0xb0: {  	s5 =	sadd.s32 s7, s9;
	[sflag:s22] =	ssyncadd.s32 $0xFFFFC000  }
0xb1: {  	[tilespmem:s4], [sflag:$0x5] =	stream.linear.gather [hbm4b:s5+s4], $0x400, $0x38;
	[tilespmem:$0x1C400] =	vst v63  }
0xb2: {  	_ =	swait.ge [sflag:s11], $0x400  }
0xb3: {  	s8 =	rddreg [dreg:$0x4];
	[sflag:s11] =	ssyncset.done $0x0  }
0xb4: {  	s5 =	sadd.s32 s7, s8;
	[sflag:s11] =	ssyncadd.s32 $0xFFFFFC00  }
0xb5: {  	[tilespmem:s12], [sflag:$0x5] =	stream.linear.gather [hbm4b:s5+s4], $0x400, $0x38;
	[tilespmem:$0x1C400] =	vst v63  }
0xb6: {  	_ =	swait.ge [sflag:s11], $0x400  }
0xb7: {  	[sflag:s11] =	ssyncset.done $0x0  }
0xb8: {  	[sflag:s11] =	ssyncadd.s32 $0xFFFFFC00  }
0xb9: {  	[tilespmem:s14], [sflag:$0x1] =	stream.indirect.gather [hbm4b:s2+s13], $0x80, s4, s13, $0xb8;
	[tilespmem:$0x1C400] =	vst v63  }
0xba: {  	_ =	swait.ge [sflag:s15], $0x4000  }
0xbb: {  	[sflag:s15] =	ssyncset.done $0x0  }
0xbc: {  	[sflag:s15] =	ssyncadd.s32 $0xFFFFC000  }
0xbd: {  	[spmem:s3] =	stream.indirect.scatter.add.f32 [tilespmem:s14], [sflag:$0x3], $0x80, s12, s13, $0xb8;
	[tilespmem:$0x1C400] =	vst v63  }
0xbe: {  	_ = 	snop  }
0xbf: {  	[tilespmem:s16], [sflag:$0x2] =	stream.indirect.gather [hbm4b:s2+s13], $0x80, s13, s13, $0xb8;
	[tilespmem:$0x1C400] =	vst v63  }
0xc0: {  	_ =	swait.ge [sflag:s17], $0x4000  }
0xc1: {  	[sflag:s17] =	ssyncset.done $0x0  }
0xc2: {  	[sflag:s17] =	ssyncadd.s32 $0xFFFFC000  }
0xc3: {  	[spmem:s3] =	stream.indirect.scatter.add.f32 [tilespmem:s16], [sflag:$0x4], $0x80, s18, s13, $0xb8;
	[tilespmem:$0x1C400] =	vst v63  }
0xc4: {  	_ =	swait.ge [sflag:s19], $0x4000  }
0xc5: {  	[sflag:s19] =	ssyncset.done $0x0  }
0xc6: {  	[sflag:s19] =	ssyncadd.s32 $0xFFFFC000  }
0xc7: {  	[tilespmem:s14], [sflag:$0x1] =	stream.indirect.gather [hbm4b:s2+s13], $0x80, s20, s13, $0xb8;
	[tilespmem:$0x1C400] =	vst v63  }
0xc8: {  	_ =	swait.ge [sflag:s15], $0x4000  }
0xc9: {  	[sflag:s15] =	ssyncset.done $0x0  }
0xca: {  	[sflag:s15] =	ssyncadd.s32 $0xFFFFC000  }
0xcb: {  	[spmem:s3] =	stream.indirect.scatter.add.f32 [tilespmem:s14], [sflag:$0x3], $0x80, s21, s13, $0xb8;
	[tilespmem:$0x1C400] =	vst v63  }
0xcc: {  	_ =	swait.ge [sflag:s22], $0x4000  }
0xcd: {  	[sflag:s22] =	ssyncset.done $0x0  }
0xce: {  	[sflag:s22] =	ssyncadd.s32 $0xFFFFC000  }
0xcf: {  	[tilespmem:s16], [sflag:$0x2] =	stream.indirect.gather [hbm4b:s2+s13], $0x80, s23, s13, $0xb8;
	[tilespmem:$0x1C400] =	vst v63  }
0xd0: {  	_ =	swait.ge [sflag:s17], $0x4000  }
0xd1: {  	[sflag:s17] =	ssyncset.done $0x0  }
0xd2: {  	[sflag:s17] =	ssyncadd.s32 $0xFFFFC000  }
0xd3: {  	[spmem:s3] =	stream.indirect.scatter.add.f32 [tilespmem:s16], [sflag:$0x4], $0x80, s24, s13, $0xb8;
	[tilespmem:$0x1C400] =	vst v63  }
0xd4: {  	_ =	swait.ge [sflag:s19], $0x4000  }
0xd5: {  	[sflag:s19] =	ssyncset.done $0x0  }
0xd6: {  	[sflag:s19] =	ssyncadd.s32 $0xFFFFC000  }
0xd7: {  	[tilespmem:s14], [sflag:$0x1] =	stream.indirect.gather [hbm4b:s2+s13], $0x80, s25, s13, $0xb8;
	[tilespmem:$0x1C400] =	vst v63  }
0xd8: {  	_ =	swait.ge [sflag:s15], $0x4000  }
0xd9: {  	[sflag:s15] =	ssyncset.done $0x0  }
0xda: {  	[sflag:s15] =	ssyncadd.s32 $0xFFFFC000  }
0xdb: {  	[spmem:s3] =	stream.indirect.scatter.add.f32 [tilespmem:s14], [sflag:$0x3], $0x80, s26, s13, $0xb8;
	[tilespmem:$0x1C400] =	vst v63  }
0xdc: {  	_ =	swait.ge [sflag:s22], $0x4000  }
0xdd: {  	[sflag:s22] =	ssyncset.done $0x0  }
0xde: {  	[sflag:s22] =	ssyncadd.s32 $0xFFFFC000  }
0xdf: {  	[tilespmem:s16], [sflag:$0x2] =	stream.indirect.gather [hbm4b:s2+s13], $0x80, s28, s13, $0xb8;
	[tilespmem:$0x1C400] =	vst v63  }
0xe0: {  	_ =	swait.ge [sflag:s17], $0x4000  }
0xe1: {  	[sflag:s17] =	ssyncset.done $0x0  }
0xe2: {  	[sflag:s17] =	ssyncadd.s32 $0xFFFFC000  }
0xe3: {  	[spmem:s3] =	stream.indirect.scatter.add.f32 [tilespmem:s16], [sflag:$0x4], $0x80, s29, s13, $0xb8;
	[tilespmem:$0x1C400] =	vst v63  }
0xe4: {  	_ =	swait.ge [sflag:s19], $0x4000  }
0xe5: {  	[sflag:s19] =	ssyncset.done $0x0  }
0xe6: {  	[sflag:s19] =	ssyncadd.s32 $0xFFFFC000  }
0xe7: {  	[tilespmem:s14], [sflag:$0x1] =	stream.indirect.gather [hbm4b:s2+s13], $0x80, s30, s13, $0xb8;
	[tilespmem:$0x1C400] =	vst v63  }
0xe8: {  	_ =	swait.ge [sflag:s15], $0x4000  }
0xe9: {  	[sflag:s15] =	ssyncset.done $0x0  }
0xea: {  	[sflag:s15] =	ssyncadd.s32 $0xFFFFC000  }
0xeb: {  	[spmem:s3] =	stream.indirect.scatter.add.f32 [tilespmem:s14], [sflag:$0x3], $0x80, s31, s13, $0xb8;
	[tilespmem:$0x1C400] =	vst v63  }
0xec: {  	_ =	swait.ge [sflag:s22], $0x4000  }
0xed: {  	[sflag:s22] =	ssyncset.done $0x0  }
0xee: {  	[sflag:s22] =	ssyncadd.s32 $0xFFFFC000  }
0xef: {  	[tilespmem:s16], [sflag:$0x2] =	stream.indirect.gather [hbm4b:s2+s13], $0x80, s0, s13, $0xb8;
	[tilespmem:$0x1C400] =	vst v63  }
0xf0: {  	_ =	swait.ge [sflag:s17], $0x4000  }
0xf1: {  	[sflag:s17] =	ssyncset.done $0x0  }
0xf2: {  	[sflag:s17] =	ssyncadd.s32 $0xFFFFC000  }
0xf3: {  	[spmem:s3] =	stream.indirect.scatter.add.f32 [tilespmem:s16], [sflag:$0x4], $0x80, s1, s13, $0xb8;
	[tilespmem:$0x1C400] =	vst v63  }
0xf4: {  	_ =	swait.ge [sflag:s19], $0x4000  }
0xf5: {  	[sflag:s19] =	ssyncset.done $0x0  }
0xf6: {  	[sflag:s19] =	ssyncadd.s32 $0xFFFFC000  }
0xf7: {  	_ =	swait.ge [sflag:s22], $0x4000  }
0xf8: {  	[sflag:s22] =	ssyncset.done $0x0  }
0xf9: {  	[sflag:s22] =	ssyncadd.s32 $0xFFFFC000  }
0xfa: {  	[bflag:$0x0] =	sbarrier.arrive $0xFFFF  }
0xfb: {  	s8 =	rddreg [dreg:$0x6]  }
0xfc: {  	s10 =	rddreg [dreg:$0x7]  }
0xfd: {  	s6 =	rddreg [dreg:$0x9]  }
0xfe: {  	[hbm:s10], [sflag:s8] =	dma.local [spmem:s6], $0x2780  }
0xff: {  	_ =	swait.ge [sflag:s11], $0x2780  }
0x100: {  	s5 =	rddreg [dreg:$0xa]  }
0x101: {  	s10 =	rddreg [dreg:$0x8];
	s7 =	sadd.s32 $0x1, s5  }
0x102: {  	p0 =	sne.s32 s7, s10  }
.Ltmp1:
0x103: {  	_ = 	snop;
	(pc) =	sbr.rel @p0 .LBB2_1-.Ltmp1, $3  }
0x104: {  	_ =	sdelay $0x1  }
0x105: {  	[sflag:s11] =	ssyncset.done $0x0  }
0x106: {  	[sflag:s11] =	ssyncadd.s32 $0xFFFFD880  }
0x107: {  	_ =	sfence.sel $0x180000  }
0x108: {  	[bflag:$0x0] =	sbarrier.arrive $0xFFFF  }
0x109: {  	_ =	strace $0x9000004A  }
0x10a: {  	s0 =	stileid.u32;
	[bflag:$0x2] =	sbarrier.arrive $0xFFFF  }
0x10b: {  	p0 =	sne.s32 s0, $0x0;
	s0 =	rddreg [dreg:$0x3]  }
0x10c: {  	s0 =	sadd.s32 @!p0 $0x100000, s0  }
0x10d: {  	[sflag:s0] =	ssyncadd.tile.s32 @!p0 $0x1;
	_ =	shalt  }
.Lfunc_end2:
_tile_overlayer_lowered:
.L_overlay_start_2:
0x10e: {  	(tag) =	ssettag $0x2  }
0x10f: {  	s0 =	rddreg [dreg:$0x0];
	s2 =	stileid.u32  }
0x110: {  	s1 =	rddreg [dreg:$0x1];
	p0 =	sne.s32 s2, $0x0  }
0x111: {  	s3 =	rddreg [dreg:$0x2];
	[bflag:$0x3] =	sbarrier.arrive $0xFFFF;
	s2 =	simm.s32 @!p0 $0x1C05  }
0x112: {  	[timem:s3], [sflag:s2] =	dma.local @!p0 [hbm:s0], s1  }
0x113: {  	s0 =	simm.s32 @!p0 $0x5  }
0x114: {  	_ =	swait.ge @!p0 [sflag:s0], s1  }
0x115: {  	s1 =	ssub.s32 @!p0 $0x0, s1;
	[sflag:s0] =	ssyncset.done @!p0 $0x0  }
0x116: {  	[sflag:s0] =	ssyncadd.s32 @!p0 s1  }
0x117: {  	[bflag:$0x3] =	sbarrier.arrive $0xFFFF  }
0x118: {  	_ =	shalt  }

// kernel: kernel.7.cloned.1.call-start
scs
__scs_entry_jumppad:
0x0: {  	(pc) =	sbr.rel $0x88, $3  }
0x1: {  	(tag) =	ssettag $0x0;
	lr =	simm.s32 $0x1  }
0x2: {  	[smem:$0x3F99] =	sst lr;
	_ =	strace $0xD0000000  }
0x3: {  	_ = 	snop  }
0x4: {  	_ = 	snop  }
0x5: {  	_ = 	snop  }
0x6: {  	_ = 	snop  }
0x7: {  	_ = 	snop  }
__scs_overlays_trampoline_lowered:
0x8: {  	[smem:$0x3FA8] =	sst s0  }
0x9: {  	[smem:$0x3FA9] =	sst s1  }
0xa: {  	[smem:$0x3FAA] =	sst s2  }
0xb: {  	[smem:$0x3FAB] =	sst s3  }
0xc: {  	[smem:$0x3FAC] =	sst s4  }
0xd: {  	[smem:$0x3FAD] =	sst s5  }
0xe: {  	[smem:$0x3FAE] =	sst s6  }
0xf: {  	[smem:$0x3FAF] =	sst s7  }
0x10: {  	[smem:$0x3FB0] =	sst s8  }
0x11: {  	[smem:$0x3FB1] =	sst s9;
	s0 =	simm.s32 @!p0 $0x0  }
0x12: {  	s1 =	sld [smem:$0x3F97];
	s0 =	simm.s32 @p0 $0x1  }
0x13: {  	[smem:$0x3FB2] =	sst s0;
	s0 =	simm.s32 @!p1 $0x0  }
0x14: {  	s2 =	sld [smem:$0x3F96];
	s0 =	simm.s32 @p1 $0x1  }
0x15: {  	[smem:$0x3FB3] =	sst s0;
	s0 =	simm.s32 @!p2 $0x0  }
0x16: {  	s3 =	sld [smem:$0x3FDB];
	s0 =	simm.s32 @p2 $0x1  }
0x17: {  	s4 =	simm.s32 $0x1BF5;
	[smem:$0x3FB5] =	sst s0  }
0x18: {  	s0 =	sld [smem:$0x3F98];
	_ =	swait.ge [sflag:s4], $0x0  }
0x19: {  	s7 =	sld [smem:$0x3F99]  }
0x1a: {  	s8 =	sadd.s32 $0xFFFFE003, lr  }
0x1b: {  	s9 =	sadd.s32 $0xFFFFFEF7, lr;
	s5 =	simm.s32 $0xFFFFFFFF;
	p2 =	slt.u32 s8, $0xFFFFF086  }
0x1c: {  	p1 =	slt.u32 s9, $0xF7A;
	s5 =	simm.s32 @!p2 $0x0  }
0x1d: {  	s5 =	simm.s32 @p1 $0x1;
	p0 =	seq.s32 s7, s2  }
0x1e: {  	s7 =	smul.u32 @!p0 $0xF7A, s2;
	p2 =	seq.s32 @!p0 s5, $0x0  }
0x1f: {  	s9 =	smul.u32 $0xF7A, s1;
	s8 =	simm.s32 @!p0 $0x1BF5;
	p2 =	por !p2, p0  }
0x20: {  	[sflag:s8] =	ssyncset.s32 @!p0 $0xFFFFF086;
	s6 =	sadd.s32 @!p0 s3, s7;
	s7 =	simm.s32 @!p0 $0x108  }
0x21: {  	s3 =	sadd.s32 s3, s9;
	s6 =	sadd.s32 @!p0 $0x88, s6;
	s7 =	simm.s32 @p2 $0x1082  }
0x22: {  	[simem:s7], [sflag:s8] =	dma.local @!p0 [hbm:s6], $0xF7A  }
0x23: {  	s9 =	sor.u32 $0xD0000000, s2;
	s6 =	simm.s32 $0x108;
	_ =	swait.ge @!p0 [sflag:s8], $0x0  }
0x24: {  	s3 =	sadd.s32 $0x88, s3;
	s6 =	simm.s32 @!p1 $0x1082;
	[sflag:s4] =	ssyncset.s32 $0xFFFFF086  }
0x25: {  	[simem:s6], [sflag:s4] =	dma.local [hbm:s3], $0xF7A  }
0x26: {  	[smem:$0x3F99] =	sst s1;
	(tag) =	ssettag s2;
	_ =	strace s9  }
0x27: {  	s1 =	sld [smem:$0x3FA9]  }
0x28: {  	s2 =	sld [smem:$0x3FAA]  }
0x29: {  	s4 =	sld [smem:$0x3FAC]  }
0x2a: {  	p0 =	seq.s32 s5, $0x0;
	s5 =	sld [smem:$0x3FAD]  }
0x2b: {  	s6 =	sld [smem:$0x3FAE]  }
0x2c: {  	s7 =	sld [smem:$0x3FAF]  }
0x2d: {  	s3 =	simm.s32 $0x108;
	s8 =	sld [smem:$0x3FB0]  }
0x2e: {  	s3 =	simm.s32 @!p0 $0x1082;
	s9 =	sld [smem:$0x3FB1]  }
0x2f: {  	lr =	sadd.s32 s0, s3;
	s0 =	sld [smem:$0x3FA8]  }
0x30: {  	s3 =	sld [smem:$0x3FAB]  }
0x31: {  	[smem:$0x3FB4] =	sst s10  }
0x32: {  	s10 =	sld [smem:$0x3FB2];
	_ =	sdelay $0x3  }
0x33: {  	p0 =	seq.s32 s10, $0x1;
	s10 =	sld [smem:$0x3FB4];
	_ =	sdelay $0x3  }
0x34: {  	[smem:$0x3FB4] =	sst s10  }
0x35: {  	s10 =	sld [smem:$0x3FB3];
	_ =	sdelay $0x3  }
0x36: {  	p1 =	seq.s32 s10, $0x1;
	s10 =	sld [smem:$0x3FB4];
	_ =	sdelay $0x3  }
0x37: {  	[smem:$0x3FB4] =	sst s10  }
0x38: {  	s10 =	sld [smem:$0x3FB5]  }
0x39: {  	_ = 	snop;
	(pc) =	sbr.ind lr, $3  }
0x3a: {  	_ = 	snop  }
0x3b: {  	_ = 	snop  }
0x3c: {  	p2 =	seq.s32 s10, $0x1;
	s10 =	sld [smem:$0x3FB4]  }
0x3d: {  	_ =	shalt  }
0x3e: {  	_ =	shalt  }
0x3f: {  	_ =	shalt  }
0x40: {  	_ =	shalt  }
0x41: {  	_ =	shalt  }
0x42: {  	_ =	shalt  }
0x43: {  	_ =	shalt  }
0x44: {  	_ =	shalt  }
0x45: {  	_ =	shalt  }
0x46: {  	_ =	shalt  }
0x47: {  	_ =	shalt  }
0x48: {  	_ =	shalt  }
0x49: {  	_ =	shalt  }
0x4a: {  	_ =	shalt  }
0x4b: {  	_ =	shalt  }
0x4c: {  	_ =	shalt  }
0x4d: {  	_ =	shalt  }
0x4e: {  	_ =	shalt  }
0x4f: {  	_ =	shalt  }
0x50: {  	_ =	shalt  }
0x51: {  	_ =	shalt  }
0x52: {  	_ =	shalt  }
0x53: {  	_ =	shalt  }
0x54: {  	_ =	shalt  }
0x55: {  	_ =	shalt  }
0x56: {  	_ =	shalt  }
0x57: {  	_ =	shalt  }
0x58: {  	_ =	shalt  }
0x59: {  	_ =	shalt  }
0x5a: {  	_ =	shalt  }
0x5b: {  	_ =	shalt  }
0x5c: {  	_ =	shalt  }
0x5d: {  	_ =	shalt  }
0x5e: {  	_ =	shalt  }
0x5f: {  	_ =	shalt  }
0x60: {  	_ =	shalt  }
0x61: {  	_ =	shalt  }
0x62: {  	_ =	shalt  }
0x63: {  	_ =	shalt  }
0x64: {  	_ =	shalt  }
0x65: {  	_ =	shalt  }
0x66: {  	_ =	shalt  }
0x67: {  	_ =	shalt  }
0x68: {  	_ =	shalt  }
0x69: {  	_ =	shalt  }
0x6a: {  	_ =	shalt  }
0x6b: {  	_ =	shalt  }
0x6c: {  	_ =	shalt  }
0x6d: {  	_ =	shalt  }
0x6e: {  	_ =	shalt  }
0x6f: {  	_ =	shalt  }
0x70: {  	_ =	shalt  }
0x71: {  	_ =	shalt  }
0x72: {  	_ =	shalt  }
0x73: {  	_ =	shalt  }
0x74: {  	_ =	shalt  }
0x75: {  	_ =	shalt  }
0x76: {  	_ =	shalt  }
0x77: {  	_ =	shalt  }
0x78: {  	_ =	shalt  }
0x79: {  	_ =	shalt  }
0x7a: {  	_ =	shalt  }
0x7b: {  	_ =	shalt  }
0x7c: {  	_ =	shalt  }
0x7d: {  	_ =	shalt  }
0x7e: {  	_ =	shalt  }
0x7f: {  	_ =	shalt  }
0x80: {  	_ =	shalt  }
0x81: {  	_ =	shalt  }
0x82: {  	_ =	shalt  }
0x83: {  	_ =	shalt  }
0x84: {  	_ =	shalt  }
0x85: {  	_ =	shalt  }
0x86: {  	_ =	shalt  }
0x87: {  	_ =	shalt  }
.Lfunc_end0:
.L_simem_size_0:
called_computation_lowered:
.L_overlay_start_0:
0x88: {  	s2 =	sld [smem:$0x3FD9]  }
0x89: {  	s3 =	sld [smem:$0x3FFE];
	_ =	sdelay $0x1  }
0x8a: {  	s1 =	srdreg.scid  }
0x8b: {  	s0 =	sand.u32 $0x1, s1  }
0x8c: {  	s17 =	sshll.u32 s0, $0xA;
	s2 =	sadd.s32 s3, s2  }
0x8d: {  	s2 =	sadd.s32 s2, s17  }
0x8e: {  	[smem:$0x3FC0] =	sst s2  }
0x8f: {  	_ = 	snop  }
0x90: {  	s2 =	sld [smem:$0x3FC9]  }
0x91: {  	s18 =	sld [smem:$0x3FD0];
	(tm) =	ssettm $0x1  }
0x92: {  	s4 =	sld [smem:$0x3FFB];
	_ =	sdelay $0x3  }
0x93: {  	_ =	strace s4  }
0x94: {  	s4 =	sld [smem:$0x3FFC];
	_ =	sdelay $0x3  }
0x95: {  	_ =	strace s4  }
0x96: {  	s4 =	sld [smem:$0x3FFD];
	_ =	sdelay $0x3  }
0x97: {  	_ =	strace s4  }
0x98: {  	_ =	strace $0x8FFFFFFF  }
0x99: {  	s19 =	sld [smem:$0x3FDB];
	_ =	sdelay $0x1  }
0x9a: {  	s5 =	simm.s32 $_scs_section_size  }
0x9b: {  	s6 =	simm.s32 $_size__tile_overlayer_lowered;
	s7 =	simm.s32 $_tile_overlayer_lowered  }
0x9c: {  	s22 =	simm.s32 $0x1BFF;
	s21 =	sshll.u32 s7, $0x1;
	s4 =	sadd.s32 s5, s19  }
0x9d: {  	s8 =	simm.s32 $0x0;
	s20 =	sshll.u32 s6, $0x1;
	s6 =	sadd.s32 s21, s4  }
0x9e: {  	[timem:s8], [sflag:s22] =	dma.local [hbm:s6], s20  }
0x9f: {  	_ =	swait.ge [sflag:s22], s20  }
0xa0: {  	s5 =	ssub.s32 $0x0, s20;
	[sflag:s22] =	ssyncset.done $0x0  }
0xa1: {  	[sflag:s22] =	ssyncadd.s32 s5;
	_ =	sdelay $0x1  }
0xa2: {  	s23 =	simm.s32 $0x1B8B  }
0xa3: {  	_ =	swait.ge [sflag:s23], $0x1  }
0xa4: {  	[sflag:s23] =	ssyncset.done $0x0  }
0xa5: {  	s25 =	simm.s32 $0x1B8E;
	s24 =	sld [smem:$0x3FFE];
	[sflag:s23] =	ssyncadd.s32 $0xFFFFFFFF  }
0xa6: {  	s26 =	simm.s32 $execute0_lowered;
	[smem:$0x3FD2] =	sst s25  }
0xa7: {  	s6 =	sshll.u32 s26, $0x1;
	_ =	strace $0x80000046;
	[dreg:$0x1] =	wrdreg $0xFFFFFFFF  }
0xa8: {  	s28 =	simm.s32 $_size_execute0_lowered;
	s4 =	sadd.s32 s4, s6;
	[dreg:$0x0] =	wrdreg $0x0  }
0xa9: {  	s6 =	sshll.u32 s28, $0x1;
	[dreg:$0x2] =	wrdreg s4  }
0xaa: {  	[dreg:$0x3] =	wrdreg s6  }
0xab: {  	[dreg:$0x4] =	wrdreg $0xC0  }
0xac: {  	_ =	task [dreg:s8], $0x5FFFF  }
0xad: {  	[dreg:$0x1] =	wrdreg $0xFFFFFFFF  }
0xae: {  	[dreg:$0x0] =	wrdreg $0x60  }
0xaf: {  	[dreg:$0x2] =	wrdreg s2  }
0xb0: {  	[dreg:$0x3] =	wrdreg s24  }
0xb1: {  	[dreg:$0x4] =	wrdreg s18  }
0xb2: {  	[dreg:$0x5] =	wrdreg $0x88000  }
0xb3: {  	[dreg:$0x6] =	wrdreg $0x9  }
0xb4: {  	_ =	task.clear_ibuf [dreg:s8], $0x7FFFF;
	_ =	strace $0x90000046  }
0xb5: {  	s29 =	simm.s32 $0x9;
	_ =	strace $0x80000048  }
0xb6: {  	_ =	swait.ge [sflag:s29], $0x1  }
0xb7: {  	[sflag:s29] =	ssyncadd.s32 $0xFFFFFFFF  }
0xb8: {  	_ =	strace $0x90000048  }
0xb9: {  	_ =	sfence  }
0xba: {  	s30 =	sld [smem:$0x0];
	_ =	sdelay $0x2  }
0xbb: {  	s31 =	sshll.u32 s1, $0xD;
	s1 =	sshrl.u32 s1, $0x2  }
0xbc: {  	s3 =	sand.u32 $0x4000, s31;
	s1 =	sadd.s32 s1, s30  }
0xbd: {  	s0 =	sor.u32 s3, s0;
	s1 =	sshll.u32 s1, $0x11  }
0xbe: {  	s0 =	sor.u32 s1, s0  }
0xbf: {  	s0 =	sadd.s32 $0x8F2B, s0  }
0xc0: {  	[sflag:s0] =	ssyncadd.remote.s32 $0x1  }
0xc1: {  	_ =	sfence.sel $0xFFFF  }
0xc2: {  	[dreg:$0x0] =	wrdreg $0xFFFFFFFF;
	(pc) =	sbr.abs _section_cstart, $3  }
0xc3: {  	[dreg:$0x1] =	wrdreg $0xFFFFFFFF  }
0xc4: {  	_ =	task.clear_ibuf [dreg:s8], $0x2FFFF;
	_ =	strace $0x9FFFFFFF  }
0xc5: {  	(tm) =	ssettm $0x7FFFFFFF  }
tec
execute0_lowered:
.L_overlay_start_1:
0x0: {  	(tag) =	ssettag $0x1  }
0x1: {  	s1 =	rddreg [dreg:$0x0]  }
0x2: {  	s0 =	rddreg [dreg:$0x1]  }
0x3: {  	s2 =	rddreg [dreg:$0x2];
	s13 =	stileid.u32  }
0x4: {  	s4 =	srdreg.scid;
	s3 =	rddreg [dreg:$0x3];
	s14 =	simm.s32 $0x80  }
0x5: {  	s15 =	simm.s32 $0x800;
	s28 =	simm.s32 $0x200;
	s5 =	smul.u32 $0x13C00, s13  }
0x6: {  	s29 =	simm.s32 $0x600;
	s30 =	simm.s32 $0x280;
	s8 =	smul.u32 $0xA00, s13  }
0x7: {  	s31 =	simm.s32 $0x680;
	s6 =	sand.u32 $0x1, s4;
	s19 =	smul.u32 $0x4F000, s13  }
0x8: {  	s4 =	simm.s32 $0x0;
	s12 =	sshrl.u32 s13, $0x3;
	s7 =	smul.u32 $0x13C000, s6  }
0x9: {  	s21 =	sshll.u32 s13, $0x6;
	s13 =	sshll.u32 s13, $0x7;
	s11 =	smul.u32 $0x28000, s6  }
0xa: {  	[smem:$0x7FF] =	sst s4;
	s18 =	ssub.s32 $0x2, s6;
	s20 =	smul.u32 $0x14000, s12  }
0xb: {  	s22 =	sand.u32 $0x380, s13;
	s6 =	smul.u32 $0x500, s6;
	s12 =	sor.u32 $0x1C05, s21  }
0xc: {  	s13 =	simm.s32 $0x400;
	s21 =	simm.s32 $0x3;
	_ =	strace $0x80000047  }
0xd: {  	s9 =	sshrl.u32 s5, $0x3;
	s16 =	sadd.s32 s8, s0;
	s10 =	sshrl.u32 s18, $0x1  }
0xe: {  	s5 =	sadd.s32 s5, s7;
	s17 =	sadd.s32 s9, s0;
	s9 =	sshrl.u32 s19, $0x2  }
0xf: {  	s6 =	sadd.s32 s6, s16;
	s16 =	simm.s32 $0x1C400;
	s19 =	simm.s32 $0x2  }
0x10: {  	s7 =	simm.s32 $0x780;
	s5 =	sshrl.u32 s5, $0x3;
	s9 =	sadd.s32 s9, s3  }
0x11: {  	s8 =	sadd.s32 $0x15E00, s17;
	s26 =	sadd.s32 $0x1E00, s6;
	s17 =	simm.s32 $0x1  }
0x12: {  	s0 =	sadd.s32 s5, s0;
	s5 =	ssub.s32 s18, s10;
	[dreg:$0x6] =	wrdreg s8  }
0x13: {  	s10 =	sadd.s32 s11, s20;
	[dreg:$0x5] =	wrdreg s26;
	s11 =	sshrl.u32 s9, $0x3  }
0x14: {  	s9 =	smov.u32 s12;
	s12 =	simm.s32 $0x5;
	s18 =	simm.s32 $0x4800  }
0x15: {  	s20 =	simm.s32 $0x480;
	s26 =	simm.s32 $0x580;
	s8 =	simm.s32 $0x0  }
0x16: {  	s23 =	sor.u32 s22, s10;
	s0 =	sadd.s32 $0x3D600, s0;
	[dreg:$0xa] =	wrdreg s9  }
0x17: {  	s25 =	smax.u32 s5, $0x1;
	s10 =	sadd.s32 $0xBE00, s6;
	[dreg:$0xb] =	wrdreg s11  }
0x18: {  	s22 =	simm.s32 $0x100;
	s5 =	simm.s32 $0x380;
	[dreg:$0x7] =	wrdreg s0  }
0x19: {  	s24 =	sshrl.u32 s23, $0x3;
	[dreg:$0x9] =	wrdreg s25;
	s23 =	simm.s32 $0x500  }
0x1a: {  	s25 =	simm.s32 $0x180;
	s0 =	sadd.s32 s2, s24;
	s24 =	simm.s32 $0x4  }
0x1b: {  	v0 =	vimm.f32 $0.0e+00;
	v1 =	vimm.f32 $1.000000000e+00;
	s2 =	simm.s32 $0x300;
	[dreg:$0x8] =	wrdreg s0;
	s0 =	simm.s32 $0x700  }
.LBB2_1:
0x1c: {  	s6 =	rddreg [dreg:$0x6]  }
0x1d: {  	[spmem:s11], [sflag:s9] =	dma.local [hbm:s6], $0x2780  }
0x1e: {  	_ =	swait.ge [sflag:s12], $0x2780  }
0x1f: {  	[sflag:s12] =	ssyncset.done $0x0  }
0x20: {  	s9 =	simm.s32 $0x40;
	s6 =	simm.s32 $0x0;
	[sflag:s12] =	ssyncadd.s32 $0xFFFFD880  }
.LBB2_2:
0x21: {  	p0 =	sne.s32 s9, $0x9FC0;
	[tilespmem:s6+$0x1C400] =	vst v0;
	s6 =	smov.u32 s9;
	s9 =	sadd.s32 $0x40, s9  }
.Ltmp0:
0x22: {  	(pc) =	sbr.rel @p0 .LBB2_2-.Ltmp0, $2  }
0x23: {  	_ =	sdelay $0x2  }
0x24: {  	s6 =	sshra.s32 s6, $0x2  }
0x25: {  	[tilespmem:s6+$0x1C400] =	vst v0  }
0x26: {  	s9 =	simm.s32 $0x0;
	[bflag:$0x0] =	sbarrier.arrive $0xFFFF  }
.LBB2_4:
0x27: {  	s6 =	sadd.s32 s9, s10  }
0x28: {  	[tilespmem:s4], [sflag:$0x5] =	stream.linear.gather [hbm4b:s6+s4], $0x400, $0x38;
	[tilespmem:$0x1EC00] =	vst v63  }
0x29: {  	_ =	swait.ge [sflag:s12], $0x400  }
0x2a: {  	s11 =	rddreg [dreg:$0x5];
	[sflag:s12] =	ssyncset.done $0x0  }
0x2b: {  	[sflag:s12] =	ssyncadd.s32 $0xFFFFFC00;
	s6 =	sadd.s32 s9, s11  }
0x2c: {  	[tilespmem:s13], [sflag:$0x5] =	stream.linear.gather [hbm4b:s6+s4], $0x400, $0x38;
	[tilespmem:$0x1EC00] =	vst v63  }
0x2d: {  	_ =	swait.ge [sflag:s12], $0x400  }
0x2e: {  	[sflag:s12] =	ssyncset.done $0x0  }
0x2f: {  	[sflag:s12] =	ssyncadd.s32 $0xFFFFFC00  }
0x30: {  	[tilespmem:s15], [sflag:$0x1] =	stream.indirect.gather [hbm4b:s1+s14], $0x80, s4, s14, $0xb8;
	[tilespmem:$0x1EC00] =	vst v63  }
0x31: {  	v2 =	vld [tilespmem:$0x400];
	_ =	sdelay $0x7  }
0x32: {  	[tilespmem:v2+s16+$0x0] =	vst.idx.add.f32.msk $0xffff, v1  }
0x33: {  	v2 =	vld [tilespmem:$0x410];
	_ =	sdelay $0x7  }
0x34: {  	[tilespmem:v2+s16+$0x0] =	vst.idx.add.f32.msk $0xffff, v1  }
0x35: {  	v2 =	vld [tilespmem:$0x420];
	_ =	sdelay $0x7  }
0x36: {  	[tilespmem:v2+s16+$0x0] =	vst.idx.add.f32.msk $0xffff, v1  }
0x37: {  	v2 =	vld [tilespmem:$0x430];
	_ =	sdelay $0x7  }
0x38: {  	[tilespmem:v2+s16+$0x0] =	vst.idx.add.f32.msk $0xffff, v1  }
0x39: {  	v2 =	vld [tilespmem:$0x440];
	_ =	sdelay $0x7  }
0x3a: {  	[tilespmem:v2+s16+$0x0] =	vst.idx.add.f32.msk $0xffff, v1  }
0x3b: {  	v2 =	vld [tilespmem:$0x450];
	_ =	sdelay $0x7  }
0x3c: {  	[tilespmem:v2+s16+$0x0] =	vst.idx.add.f32.msk $0xffff, v1  }
0x3d: {  	v2 =	vld [tilespmem:$0x460];
	_ =	sdelay $0x7  }
0x3e: {  	[tilespmem:v2+s16+$0x0] =	vst.idx.add.f32.msk $0xffff, v1  }
0x3f: {  	v2 =	vld [tilespmem:$0x470];
	_ =	sdelay $0x7  }
0x40: {  	[tilespmem:v2+s16+$0x0] =	vst.idx.add.f32.msk $0xffff, v1  }
0x41: {  	_ =	swait.ge [sflag:s17], $0x4000  }
0x42: {  	[sflag:s17] =	ssyncset.done $0x0  }
0x43: {  	[sflag:s17] =	ssyncadd.s32 $0xFFFFC000  }
0x44: {  	[spmem:s3] =	stream.indirect.scatter.add.f32 [tilespmem:s15], [sflag:$0x3], $0x80, s13, s14, $0xb8;
	[tilespmem:$0x1EC00] =	vst v63  }
0x45: {  	_ = 	snop  }
0x46: {  	[tilespmem:s18], [sflag:$0x2] =	stream.indirect.gather [hbm4b:s1+s14], $0x80, s14, s14, $0xb8;
	[tilespmem:$0x1EC00] =	vst v63  }
0x47: {  	v2 =	vld [tilespmem:$0x480];
	_ =	sdelay $0x7  }
0x48: {  	[tilespmem:v2+s16+$0x0] =	vst.idx.add.f32.msk $0xffff, v1  }
0x49: {  	v2 =	vld [tilespmem:$0x490];
	_ =	sdelay $0x7  }
0x4a: {  	[tilespmem:v2+s16+$0x0] =	vst.idx.add.f32.msk $0xffff, v1  }
0x4b: {  	v2 =	vld [tilespmem:$0x4A0];
	_ =	sdelay $0x7  }
0x4c: {  	[tilespmem:v2+s16+$0x0] =	vst.idx.add.f32.msk $0xffff, v1  }
0x4d: {  	v2 =	vld [tilespmem:$0x4B0];
	_ =	sdelay $0x7  }
0x4e: {  	[tilespmem:v2+s16+$0x0] =	vst.idx.add.f32.msk $0xffff, v1  }
0x4f: {  	v2 =	vld [tilespmem:$0x4C0];
	_ =	sdelay $0x7  }
0x50: {  	[tilespmem:v2+s16+$0x0] =	vst.idx.add.f32.msk $0xffff, v1  }
0x51: {  	v2 =	vld [tilespmem:$0x4D0];
	_ =	sdelay $0x7  }
0x52: {  	[tilespmem:v2+s16+$0x0] =	vst.idx.add.f32.msk $0xffff, v1  }
0x53: {  	v2 =	vld [tilespmem:$0x4E0];
	_ =	sdelay $0x7  }
0x54: {  	[tilespmem:v2+s16+$0x0] =	vst.idx.add.f32.msk $0xffff, v1  }
0x55: {  	v2 =	vld [tilespmem:$0x4F0];
	_ =	sdelay $0x7  }
0x56: {  	[tilespmem:v2+s16+$0x0] =	vst.idx.add.f32.msk $0xffff, v1  }
0x57: {  	_ =	swait.ge [sflag:s19], $0x4000  }
0x58: {  	[sflag:s19] =	ssyncset.done $0x0  }
0x59: {  	[sflag:s19] =	ssyncadd.s32 $0xFFFFC000  }
0x5a: {  	[spmem:s3] =	stream.indirect.scatter.add.f32 [tilespmem:s18], [sflag:$0x4], $0x80, s20, s14, $0xb8;
	[tilespmem:$0x1EC00] =	vst v63  }
0x5b: {  	_ =	swait.ge [sflag:s21], $0x4000  }
0x5c: {  	[sflag:s21] =	ssyncset.done $0x0  }
0x5d: {  	[sflag:s21] =	ssyncadd.s32 $0xFFFFC000  }
0x5e: {  	[tilespmem:s15], [sflag:$0x1] =	stream.indirect.gather [hbm4b:s1+s14], $0x80, s22, s14, $0xb8;
	[tilespmem:$0x1EC00] =	vst v63  }
0x5f: {  	v2 =	vld [tilespmem:$0x500];
	_ =	sdelay $0x7  }
0x60: {  	[tilespmem:v2+s16+$0x0] =	vst.idx.add.f32.msk $0xffff, v1  }
0x61: {  	v2 =	vld [tilespmem:$0x510];
	_ =	sdelay $0x7  }
0x62: {  	[tilespmem:v2+s16+$0x0] =	vst.idx.add.f32.msk $0xffff, v1  }
0x63: {  	v2 =	vld [tilespmem:$0x520];
	_ =	sdelay $0x7  }
0x64: {  	[tilespmem:v2+s16+$0x0] =	vst.idx.add.f32.msk $0xffff, v1  }
0x65: {  	v2 =	vld [tilespmem:$0x530];
	_ =	sdelay $0x7  }
0x66: {  	[tilespmem:v2+s16+$0x0] =	vst.idx.add.f32.msk $0xffff, v1  }
0x67: {  	v2 =	vld [tilespmem:$0x540];
	_ =	sdelay $0x7  }
0x68: {  	[tilespmem:v2+s16+$0x0] =	vst.idx.add.f32.msk $0xffff, v1  }
0x69: {  	v2 =	vld [tilespmem:$0x550];
	_ =	sdelay $0x7  }
0x6a: {  	[tilespmem:v2+s16+$0x0] =	vst.idx.add.f32.msk $0xffff, v1  }
0x6b: {  	v2 =	vld [tilespmem:$0x560];
	_ =	sdelay $0x7  }
0x6c: {  	[tilespmem:v2+s16+$0x0] =	vst.idx.add.f32.msk $0xffff, v1  }
0x6d: {  	v2 =	vld [tilespmem:$0x570];
	_ =	sdelay $0x7  }
0x6e: {  	[tilespmem:v2+s16+$0x0] =	vst.idx.add.f32.msk $0xffff, v1  }
0x6f: {  	_ =	swait.ge [sflag:s17], $0x4000  }
0x70: {  	[sflag:s17] =	ssyncset.done $0x0  }
0x71: {  	[sflag:s17] =	ssyncadd.s32 $0xFFFFC000  }
0x72: {  	[spmem:s3] =	stream.indirect.scatter.add.f32 [tilespmem:s15], [sflag:$0x3], $0x80, s23, s14, $0xb8;
	[tilespmem:$0x1EC00] =	vst v63  }
0x73: {  	_ =	swait.ge [sflag:s24], $0x4000  }
0x74: {  	[sflag:s24] =	ssyncset.done $0x0  }
0x75: {  	[sflag:s24] =	ssyncadd.s32 $0xFFFFC000  }
0x76: {  	[tilespmem:s18], [sflag:$0x2] =	stream.indirect.gather [hbm4b:s1+s14], $0x80, s25, s14, $0xb8;
	[tilespmem:$0x1EC00] =	vst v63  }
0x77: {  	v2 =	vld [tilespmem:$0x580];
	_ =	sdelay $0x7  }
0x78: {  	[tilespmem:v2+s16+$0x0] =	vst.idx.add.f32.msk $0xffff, v1  }
0x79: {  	v2 =	vld [tilespmem:$0x590];
	_ =	sdelay $0x7  }
0x7a: {  	[tilespmem:v2+s16+$0x0] =	vst.idx.add.f32.msk $0xffff, v1  }
0x7b: {  	v2 =	vld [tilespmem:$0x5A0];
	_ =	sdelay $0x7  }
0x7c: {  	[tilespmem:v2+s16+$0x0] =	vst.idx.add.f32.msk $0xffff, v1  }
0x7d: {  	v2 =	vld [tilespmem:$0x5B0];
	_ =	sdelay $0x7  }
0x7e: {  	[tilespmem:v2+s16+$0x0] =	vst.idx.add.f32.msk $0xffff, v1  }
0x7f: {  	v2 =	vld [tilespmem:$0x5C0];
	_ =	sdelay $0x7  }
0x80: {  	[tilespmem:v2+s16+$0x0] =	vst.idx.add.f32.msk $0xffff, v1  }
0x81: {  	v2 =	vld [tilespmem:$0x5D0];
	_ =	sdelay $0x7  }
0x82: {  	[tilespmem:v2+s16+$0x0] =	vst.idx.add.f32.msk $0xffff, v1  }
0x83: {  	v2 =	vld [tilespmem:$0x5E0];
	_ =	sdelay $0x7  }
0x84: {  	[tilespmem:v2+s16+$0x0] =	vst.idx.add.f32.msk $0xffff, v1  }
0x85: {  	v2 =	vld [tilespmem:$0x5F0];
	_ =	sdelay $0x7  }
0x86: {  	[tilespmem:v2+s16+$0x0] =	vst.idx.add.f32.msk $0xffff, v1  }
0x87: {  	_ =	swait.ge [sflag:s19], $0x4000  }
0x88: {  	[sflag:s19] =	ssyncset.done $0x0  }
0x89: {  	[sflag:s19] =	ssyncadd.s32 $0xFFFFC000  }
0x8a: {  	[spmem:s3] =	stream.indirect.scatter.add.f32 [tilespmem:s18], [sflag:$0x4], $0x80, s26, s14, $0xb8;
	[tilespmem:$0x1EC00] =	vst v63  }
0x8b: {  	_ =	swait.ge [sflag:s21], $0x4000  }
0x8c: {  	[sflag:s21] =	ssyncset.done $0x0  }
0x8d: {  	[sflag:s21] =	ssyncadd.s32 $0xFFFFC000  }
0x8e: {  	[tilespmem:s15], [sflag:$0x1] =	stream.indirect.gather [hbm4b:s1+s14], $0x80, s28, s14, $0xb8;
	[tilespmem:$0x1EC00] =	vst v63  }
0x8f: {  	v2 =	vld [tilespmem:$0x600];
	_ =	sdelay $0x7  }
0x90: {  	[tilespmem:v2+s16+$0x0] =	vst.idx.add.f32.msk $0xffff, v1  }
0x91: {  	v2 =	vld [tilespmem:$0x610];
	_ =	sdelay $0x7  }
0x92: {  	[tilespmem:v2+s16+$0x0] =	vst.idx.add.f32.msk $0xffff, v1  }
0x93: {  	v2 =	vld [tilespmem:$0x620];
	_ =	sdelay $0x7  }
0x94: {  	[tilespmem:v2+s16+$0x0] =	vst.idx.add.f32.msk $0xffff, v1  }
0x95: {  	v2 =	vld [tilespmem:$0x630];
	_ =	sdelay $0x7  }
0x96: {  	[tilespmem:v2+s16+$0x0] =	vst.idx.add.f32.msk $0xffff, v1  }
0x97: {  	v2 =	vld [tilespmem:$0x640];
	_ =	sdelay $0x7  }
0x98: {  	[tilespmem:v2+s16+$0x0] =	vst.idx.add.f32.msk $0xffff, v1  }
0x99: {  	v2 =	vld [tilespmem:$0x650];
	_ =	sdelay $0x7  }
0x9a: {  	[tilespmem:v2+s16+$0x0] =	vst.idx.add.f32.msk $0xffff, v1  }
0x9b: {  	v2 =	vld [tilespmem:$0x660];
	_ =	sdelay $0x7  }
0x9c: {  	[tilespmem:v2+s16+$0x0] =	vst.idx.add.f32.msk $0xffff, v1  }
0x9d: {  	v2 =	vld [tilespmem:$0x670];
	_ =	sdelay $0x7  }
0x9e: {  	[tilespmem:v2+s16+$0x0] =	vst.idx.add.f32.msk $0xffff, v1  }
0x9f: {  	_ =	swait.ge [sflag:s17], $0x4000  }
0xa0: {  	[sflag:s17] =	ssyncset.done $0x0  }
0xa1: {  	[sflag:s17] =	ssyncadd.s32 $0xFFFFC000  }
0xa2: {  	[spmem:s3] =	stream.indirect.scatter.add.f32 [tilespmem:s15], [sflag:$0x3], $0x80, s29, s14, $0xb8;
	[tilespmem:$0x1EC00] =	vst v63  }
0xa3: {  	_ =	swait.ge [sflag:s24], $0x4000  }
0xa4: {  	[sflag:s24] =	ssyncset.done $0x0  }
0xa5: {  	[sflag:s24] =	ssyncadd.s32 $0xFFFFC000  }
0xa6: {  	[tilespmem:s18], [sflag:$0x2] =	stream.indirect.gather [hbm4b:s1+s14], $0x80, s30, s14, $0xb8;
	[tilespmem:$0x1EC00] =	vst v63  }
0xa7: {  	v2 =	vld [tilespmem:$0x680];
	_ =	sdelay $0x7  }
0xa8: {  	[tilespmem:v2+s16+$0x0] =	vst.idx.add.f32.msk $0xffff, v1  }
0xa9: {  	v2 =	vld [tilespmem:$0x690];
	_ =	sdelay $0x7  }
0xaa: {  	[tilespmem:v2+s16+$0x0] =	vst.idx.add.f32.msk $0xffff, v1  }
0xab: {  	v2 =	vld [tilespmem:$0x6A0];
	_ =	sdelay $0x7  }
0xac: {  	[tilespmem:v2+s16+$0x0] =	vst.idx.add.f32.msk $0xffff, v1  }
0xad: {  	v2 =	vld [tilespmem:$0x6B0];
	_ =	sdelay $0x7  }
0xae: {  	[tilespmem:v2+s16+$0x0] =	vst.idx.add.f32.msk $0xffff, v1  }
0xaf: {  	v2 =	vld [tilespmem:$0x6C0];
	_ =	sdelay $0x7  }
0xb0: {  	[tilespmem:v2+s16+$0x0] =	vst.idx.add.f32.msk $0xffff, v1  }
0xb1: {  	v2 =	vld [tilespmem:$0x6D0];
	_ =	sdelay $0x7  }
0xb2: {  	[tilespmem:v2+s16+$0x0] =	vst.idx.add.f32.msk $0xffff, v1  }
0xb3: {  	v2 =	vld [tilespmem:$0x6E0];
	_ =	sdelay $0x7  }
0xb4: {  	[tilespmem:v2+s16+$0x0] =	vst.idx.add.f32.msk $0xffff, v1  }
0xb5: {  	v2 =	vld [tilespmem:$0x6F0];
	_ =	sdelay $0x7  }
0xb6: {  	[tilespmem:v2+s16+$0x0] =	vst.idx.add.f32.msk $0xffff, v1  }
0xb7: {  	_ =	swait.ge [sflag:s19], $0x4000  }
0xb8: {  	[sflag:s19] =	ssyncset.done $0x0  }
0xb9: {  	[sflag:s19] =	ssyncadd.s32 $0xFFFFC000  }
0xba: {  	[spmem:s3] =	stream.indirect.scatter.add.f32 [tilespmem:s18], [sflag:$0x4], $0x80, s31, s14, $0xb8;
	[tilespmem:$0x1EC00] =	vst v63  }
0xbb: {  	_ =	swait.ge [sflag:s21], $0x4000  }
0xbc: {  	[sflag:s21] =	ssyncset.done $0x0  }
0xbd: {  	[sflag:s21] =	ssyncadd.s32 $0xFFFFC000  }
0xbe: {  	[tilespmem:s15], [sflag:$0x1] =	stream.indirect.gather [hbm4b:s1+s14], $0x80, s2, s14, $0xb8;
	[tilespmem:$0x1EC00] =	vst v63  }
0xbf: {  	v2 =	vld [tilespmem:$0x700];
	_ =	sdelay $0x7  }
0xc0: {  	[tilespmem:v2+s16+$0x0] =	vst.idx.add.f32.msk $0xffff, v1  }
0xc1: {  	v2 =	vld [tilespmem:$0x710];
	_ =	sdelay $0x7  }
0xc2: {  	[tilespmem:v2+s16+$0x0] =	vst.idx.add.f32.msk $0xffff, v1  }
0xc3: {  	v2 =	vld [tilespmem:$0x720];
	_ =	sdelay $0x7  }
0xc4: {  	[tilespmem:v2+s16+$0x0] =	vst.idx.add.f32.msk $0xffff, v1  }
0xc5: {  	v2 =	vld [tilespmem:$0x730];
	_ =	sdelay $0x7  }
0xc6: {  	[tilespmem:v2+s16+$0x0] =	vst.idx.add.f32.msk $0xffff, v1  }
0xc7: {  	v2 =	vld [tilespmem:$0x740];
	_ =	sdelay $0x7  }
0xc8: {  	[tilespmem:v2+s16+$0x0] =	vst.idx.add.f32.msk $0xffff, v1  }
0xc9: {  	v2 =	vld [tilespmem:$0x750];
	_ =	sdelay $0x7  }
0xca: {  	[tilespmem:v2+s16+$0x0] =	vst.idx.add.f32.msk $0xffff, v1  }
0xcb: {  	v2 =	vld [tilespmem:$0x760];
	_ =	sdelay $0x7  }
0xcc: {  	[tilespmem:v2+s16+$0x0] =	vst.idx.add.f32.msk $0xffff, v1  }
0xcd: {  	v2 =	vld [tilespmem:$0x770];
	_ =	sdelay $0x7  }
0xce: {  	[tilespmem:v2+s16+$0x0] =	vst.idx.add.f32.msk $0xffff, v1  }
0xcf: {  	_ =	swait.ge [sflag:s17], $0x4000  }
0xd0: {  	[sflag:s17] =	ssyncset.done $0x0  }
0xd1: {  	[sflag:s17] =	ssyncadd.s32 $0xFFFFC000  }
0xd2: {  	[spmem:s3] =	stream.indirect.scatter.add.f32 [tilespmem:s15], [sflag:$0x3], $0x80, s0, s14, $0xb8;
	[tilespmem:$0x1EC00] =	vst v63  }
0xd3: {  	_ =	swait.ge [sflag:s24], $0x4000  }
0xd4: {  	[sflag:s24] =	ssyncset.done $0x0  }
0xd5: {  	[sflag:s24] =	ssyncadd.s32 $0xFFFFC000  }
0xd6: {  	[tilespmem:s18], [sflag:$0x2] =	stream.indirect.gather [hbm4b:s1+s14], $0x80, s5, s14, $0xb8;
	[tilespmem:$0x1EC00] =	vst v63  }
0xd7: {  	v2 =	vld [tilespmem:$0x780];
	_ =	sdelay $0x7  }
0xd8: {  	[tilespmem:v2+s16+$0x0] =	vst.idx.add.f32.msk $0xffff, v1  }
0xd9: {  	v2 =	vld [tilespmem:$0x790];
	_ =	sdelay $0x7  }
0xda: {  	[tilespmem:v2+s16+$0x0] =	vst.idx.add.f32.msk $0xffff, v1  }
0xdb: {  	v2 =	vld [tilespmem:$0x7A0];
	_ =	sdelay $0x7  }
0xdc: {  	[tilespmem:v2+s16+$0x0] =	vst.idx.add.f32.msk $0xffff, v1  }
0xdd: {  	v2 =	vld [tilespmem:$0x7B0];
	_ =	sdelay $0x7  }
0xde: {  	[tilespmem:v2+s16+$0x0] =	vst.idx.add.f32.msk $0xffff, v1  }
0xdf: {  	v2 =	vld [tilespmem:$0x7C0];
	_ =	sdelay $0x7  }
0xe0: {  	[tilespmem:v2+s16+$0x0] =	vst.idx.add.f32.msk $0xffff, v1  }
0xe1: {  	v2 =	vld [tilespmem:$0x7D0];
	_ =	sdelay $0x7  }
0xe2: {  	[tilespmem:v2+s16+$0x0] =	vst.idx.add.f32.msk $0xffff, v1  }
0xe3: {  	v2 =	vld [tilespmem:$0x7E0];
	_ =	sdelay $0x7  }
0xe4: {  	[tilespmem:v2+s16+$0x0] =	vst.idx.add.f32.msk $0xffff, v1  }
0xe5: {  	v2 =	vld [tilespmem:$0x7F0];
	_ =	sdelay $0x7  }
0xe6: {  	[tilespmem:v2+s16+$0x0] =	vst.idx.add.f32.msk $0xffff, v1  }
0xe7: {  	_ =	swait.ge [sflag:s19], $0x4000  }
0xe8: {  	[sflag:s19] =	ssyncset.done $0x0  }
0xe9: {  	[sflag:s19] =	ssyncadd.s32 $0xFFFFC000  }
0xea: {  	[spmem:s3] =	stream.indirect.scatter.add.f32 [tilespmem:s18], [sflag:$0x4], $0x80, s7, s14, $0xb8;
	[tilespmem:$0x1EC00] =	vst v63  }
0xeb: {  	p0 =	sne.s32 s9, $0x480;
	_ =	swait.ge [sflag:s21], $0x4000  }
.Ltmp1:
0xec: {  	[sflag:s21] =	ssyncset.done $0x0;
	(pc) =	sbr.rel @p0 .LBB2_4-.Ltmp1, $4  }
0xed: {  	[sflag:s21] =	ssyncadd.s32 $0xFFFFC000  }
0xee: {  	_ =	swait.ge [sflag:s24], $0x4000  }
0xef: {  	[sflag:s24] =	ssyncset.done $0x0  }
0xf0: {  	s9 =	sadd.s32 $0x80, s9;
	[sflag:s24] =	ssyncadd.s32 $0xFFFFC000  }
0xf1: {  	[bflag:$0x0] =	sbarrier.arrive $0xFFFF  }
0xf2: {  	s9 =	rddreg [dreg:$0xa]  }
0xf3: {  	s6 =	rddreg [dreg:$0x7]  }
0xf4: {  	s11 =	rddreg [dreg:$0xb]  }
0xf5: {  	[hbm:s6], [sflag:s9] =	dma.local [spmem:s11], $0x2780  }
0xf6: {  	_ =	swait.ge [sflag:s12], $0x2780  }
0xf7: {  	[sflag:s12] =	ssyncset.done $0x0  }
0xf8: {  	s6 =	rddreg [dreg:$0x8];
	[sflag:s12] =	ssyncadd.s32 $0xFFFFD880  }
0xf9: {  	[hbm4b:s6+s14] =	stream.strided.scatter [tilespmem:s16], [sflag:$0x5], $0x2800, s13, s14, $0x38;
	[tilespmem:$0x1EC00] =	vst v63  }
0xfa: {  	_ =	swait.ge [sflag:s12], $0x2800  }
0xfb: {  	s8 =	sadd.s32 $0x1, s8;
	s6 =	rddreg [dreg:$0x9]  }
0xfc: {  	p0 =	sne.s32 s8, s6  }
.Ltmp2:
0xfd: {  	_ = 	snop;
	(pc) =	sbr.rel @p0 .LBB2_1-.Ltmp2, $3  }
0xfe: {  	_ =	sdelay $0x1  }
0xff: {  	[sflag:s12] =	ssyncset.done $0x0  }
0x100: {  	[sflag:s12] =	ssyncadd.s32 $0xFFFFD800  }
0x101: {  	_ =	sfence.sel $0x180000  }
0x102: {  	[bflag:$0x0] =	sbarrier.arrive $0xFFFF  }
0x103: {  	_ =	strace $0x90000047  }
0x104: {  	s0 =	stileid.u32;
	[bflag:$0x2] =	sbarrier.arrive $0xFFFF  }
0x105: {  	p0 =	sne.s32 s0, $0x0;
	s0 =	rddreg [dreg:$0x4]  }
0x106: {  	s0 =	sadd.s32 @!p0 $0x100000, s0  }
0x107: {  	[sflag:s0] =	ssyncadd.tile.s32 @!p0 $0x1;
	_ =	shalt  }
.Lfunc_end2:
_tile_overlayer_lowered:
.L_overlay_start_2:
0x108: {  	(tag) =	ssettag $0x2  }
0x109: {  	s0 =	rddreg [dreg:$0x0];
	s2 =	stileid.u32  }
0x10a: {  	s1 =	rddreg [dreg:$0x1];
	p0 =	sne.s32 s2, $0x0  }
0x10b: {  	s3 =	rddreg [dreg:$0x2];
	[bflag:$0x3] =	sbarrier.arrive $0xFFFF;
	s2 =	simm.s32 @!p0 $0x1C05  }
0x10c: {  	[timem:s3], [sflag:s2] =	dma.local @!p0 [hbm:s0], s1  }
0x10d: {  	s0 =	simm.s32 @!p0 $0x5  }
0x10e: {  	_ =	swait.ge @!p0 [sflag:s0], s1  }
0x10f: {  	s1 =	ssub.s32 @!p0 $0x0, s1;
	[sflag:s0] =	ssyncset.done @!p0 $0x0  }
0x110: {  	[sflag:s0] =	ssyncadd.s32 @!p0 s1  }
0x111: {  	[bflag:$0x3] =	sbarrier.arrive $0xFFFF  }
0x112: {  	_ =	shalt  }

</sc_bundles>
